<compile_context>
chip_gen: v7x
topology: tpu7x:2x2x1
jax: 0.10.2.dev20260603
libtpu: 0.0.44.dev20260713+nightly
codegen_flags: <defaults>
</compile_context>

<pallas_src>
import functools

import jax
import jax.numpy as jnp
from jax import lax
from jax.experimental import pallas as pl
from jax.experimental.pallas import tpu as pltpu
from jax.experimental.pallas import tpu_sc as plsc

N = 10000
E = 320000
D = 128

NP = 10240
EP = 327680
CHUNK = 128
KCH = 80
ROWS_PER_TILE = NP // 16

N_PAD_NODES = NP - N

_MESH = plsc.VectorSubcoreMesh(core_axis_name="c", subcore_axis_name="s")



@functools.partial(
    pl.kernel,
    out_type=jax.ShapeDtypeStruct((2, NP), jnp.float32),
    mesh=_MESH,
    scratch_types=[
        pltpu.VMEM_SHARED((NP,), jnp.float32),
        pltpu.VMEM((KCH, CHUNK), jnp.int32),
        pltpu.VMEM((CHUNK,), jnp.float32),
        pltpu.SemaphoreType.DMA,
    ],
)
def _sc_degree(dst_hbm, z1_hbm, ones_hbm, out_hbm, acc, dstb, ones, sem):
    cid = lax.axis_index("c")
    sid = lax.axis_index("s")
    wid = sid * 2 + cid
    r0 = sid * ROWS_PER_TILE

    pltpu.sync_copy(ones_hbm, ones)
    pltpu.sync_copy(dst_hbm.at[pl.ds(wid * KCH, KCH)], dstb)
    pltpu.sync_copy(z1_hbm.at[pl.ds(r0, ROWS_PER_TILE)],
                    acc.at[pl.ds(r0, ROWS_PER_TILE)])
    plsc.subcore_barrier()

    def fire(j, _):
        pltpu.async_copy(ones, acc.at[dstb.at[j]], sem, add=True)
        return 0

    def drain(j, _):
        pltpu.make_async_copy(ones, acc.at[dstb.at[j]], sem).wait()
        return 0

    lax.fori_loop(0, KCH, fire, 0)
    lax.fori_loop(0, KCH, drain, 0)
    plsc.subcore_barrier()
    pltpu.sync_copy(acc.at[pl.ds(r0, ROWS_PER_TILE)],
                    out_hbm.at[cid, pl.ds(r0, ROWS_PER_TILE)])


@functools.partial(
    pl.kernel,
    out_type=jax.ShapeDtypeStruct((2, 16, ROWS_PER_TILE, D), jnp.float32),
    mesh=_MESH,
    scratch_types=[
        pltpu.VMEM_SHARED((NP, D), jnp.float32),
        pltpu.VMEM((KCH // 2, CHUNK), jnp.int32),
        pltpu.VMEM((KCH // 2, CHUNK), jnp.int32),
        pltpu.VMEM((CHUNK, D), jnp.float32),
        pltpu.VMEM((CHUNK, D), jnp.float32),
        pltpu.SemaphoreType.DMA,
        pltpu.SemaphoreType.DMA,
        pltpu.SemaphoreType.DMA,
        pltpu.SemaphoreType.DMA,
    ],
)
def _sc_agg_wide(hs_hbm, src_hbm, dst_hbm, z2_hbm, out_hbm, acc, srcb, dstb,
                 rows0, rows1, g0, g1, s0, s1):
    cid = lax.axis_index("c")
    sid = lax.axis_index("s")
    wid = sid * 2 + cid
    r0 = sid * ROWS_PER_TILE
    rpp = KCH // 2

    pltpu.sync_copy(z2_hbm.at[pl.ds(r0, ROWS_PER_TILE)],
                    acc.at[pl.ds(r0, ROWS_PER_TILE)])
    plsc.subcore_barrier()

    def run(base0, n_phases):
        def phase(p, _):
            base = base0 + p * rpp
            pltpu.sync_copy(src_hbm.at[pl.ds(base, rpp)], srcb)
            pltpu.sync_copy(dst_hbm.at[pl.ds(base, rpp)], dstb)
            pltpu.async_copy(hs_hbm.at[srcb.at[0]], rows0, g0)

            def pair(j, _):
                c0 = 2 * j
                c1 = c0 + 1
                pltpu.make_async_copy(hs_hbm.at[srcb.at[c0]], rows0, g0).wait()

                @pl.when(j > 0)
                def _():
                    pltpu.make_async_copy(rows1, acc.at[dstb.at[c1]], s1).wait()

                pltpu.async_copy(hs_hbm.at[srcb.at[c1]], rows1, g1)
                pltpu.async_copy(rows0, acc.at[dstb.at[c0]], s0, add=True)
                pltpu.make_async_copy(hs_hbm.at[srcb.at[c1]], rows1, g1).wait()
                pltpu.make_async_copy(rows0, acc.at[dstb.at[c0]], s0).wait()

                @pl.when(j < rpp // 2 - 1)
                def _():
                    pltpu.async_copy(hs_hbm.at[srcb.at[c1 + 1]], rows0, g0)

                pltpu.async_copy(rows1, acc.at[dstb.at[c1]], s1, add=True)
                return 0

            lax.fori_loop(0, rpp // 2, pair, 0)
            pltpu.make_async_copy(rows1, acc.at[dstb.at[rpp - 1]], s1).wait()
            return 0

        lax.fori_loop(0, n_phases, phase, 0)

    run(wid * KCH, 2)
    plsc.subcore_barrier()
    pltpu.sync_copy(acc.at[pl.ds(r0, ROWS_PER_TILE)], out_hbm.at[cid, sid])


@functools.partial(
    pl.kernel,
    out_type=jax.ShapeDtypeStruct((2, NP), jnp.float32),
    mesh=_MESH,
    scratch_types=[
        pltpu.VMEM_SHARED((NP,), jnp.float32),
        pltpu.VMEM((KCH, CHUNK), jnp.int32),
        pltpu.VMEM((KCH, CHUNK), jnp.int32),
        pltpu.VMEM((KCH, CHUNK), jnp.float32),
        pltpu.SemaphoreType.DMA,
        pltpu.SemaphoreType.DMA,
    ],
)
def _sc_agg_scalar(ss_hbm, src_hbm, dst_hbm, z1_hbm, out_hbm, acc, srcb, dstb,
                   valsb, g, s):
    cid = lax.axis_index("c")
    sid = lax.axis_index("s")
    wid = sid * 2 + cid
    r0 = sid * ROWS_PER_TILE

    pltpu.sync_copy(src_hbm.at[pl.ds(wid * KCH, KCH)], srcb)
    pltpu.sync_copy(dst_hbm.at[pl.ds(wid * KCH, KCH)], dstb)
    pltpu.sync_copy(z1_hbm.at[pl.ds(r0, ROWS_PER_TILE)],
                    acc.at[pl.ds(r0, ROWS_PER_TILE)])
    plsc.subcore_barrier()

    def fire_gather(j, _):
        pltpu.async_copy(ss_hbm.at[srcb.at[j]], valsb.at[j], g)
        return 0

    def scatter(j, _):
        pltpu.make_async_copy(ss_hbm.at[srcb.at[j]], valsb.at[j], g).wait()
        pltpu.async_copy(valsb.at[j], acc.at[dstb.at[j]], s, add=True)
        return 0

    def drain(j, _):
        pltpu.make_async_copy(valsb.at[j], acc.at[dstb.at[j]], s).wait()
        return 0

    lax.fori_loop(0, KCH, fire_gather, 0)
    lax.fori_loop(0, KCH, scatter, 0)
    lax.fori_loop(0, KCH, drain, 0)
    plsc.subcore_barrier()
    pltpu.sync_copy(acc.at[pl.ds(r0, ROWS_PER_TILE)],
                    out_hbm.at[cid, pl.ds(r0, ROWS_PER_TILE)])



_BLK = 1024


def _tc_scale_matmul(x_ref, w_ref, deg_ref, hs_ref):
    dd = deg_ref[...]
    dis = lax.rsqrt(dd[0] + dd[1] + 1.0)
    h = jnp.dot(x_ref[...], w_ref[...], preferred_element_type=jnp.float32)
    hs_ref[...] = h * dis


def _tc_mid(a_ref, hs_ref, deg_ref, w2_ref, b1_ref, ss_ref):
    dd = deg_ref[...]
    dis = lax.rsqrt(dd[0] + dd[1] + 1.0)
    a = a_ref[...]
    agg = dis * (a[0] + a[1] + hs_ref[...])
    h2 = jnp.maximum(agg + b1_ref[...], 0.0)
    s = jnp.dot(h2, w2_ref[...], preferred_element_type=jnp.float32)
    ss_ref[...] = s * dis


def _tc_final(a_ref, ss_ref, deg_ref, b2_ref, o_ref):
    dd = deg_ref[...]
    dis = lax.rsqrt(dd[0] + dd[1] + 1.0)
    a = a_ref[...]
    z = dis * (a[0] + a[1] + ss_ref[...]) + b2_ref[...]
    o_ref[...] = jax.nn.sigmoid(z)


def _tc_final80(a_ref, ss_ref, deg_ref, b2_ref, o_ref):
    dd = deg_ref[...]
    dis = lax.rsqrt(dd[0] + dd[1] + 1.0)
    a = a_ref[...]
    z = dis * (a[0] + a[1] + ss_ref[...]) + b2_ref[...]
    o_ref[...] = jax.nn.sigmoid(z)



def kernel(x, edge_index, W1, b1, W2, b2):
    ei = edge_index.astype(jnp.int32)
    pad = N + (jnp.arange(EP - E, dtype=jnp.int32) % N_PAD_NODES)
    src2d = jnp.concatenate([ei[0], pad]).reshape(32 * KCH, CHUNK)
    dst2d = jnp.concatenate([ei[1], pad]).reshape(32 * KCH, CHUNK)
    x_p = jnp.pad(x, ((0, NP - N), (0, 0)))
    z1 = jnp.zeros((NP,), jnp.float32)
    z2 = jnp.zeros((NP, D), jnp.float32)
    ones = jnp.ones((CHUNK,), jnp.float32)

    deg2 = _sc_degree(dst2d, z1, ones)
    deg = deg2.reshape(2, NP, 1)

    hs = pl.pallas_call(
        _tc_scale_matmul,
        grid=(NP // _BLK,),
        in_specs=[
            pl.BlockSpec((_BLK, D), lambda i: (i, 0)),
            pl.BlockSpec((D, D), lambda i: (0, 0)),
            pl.BlockSpec((2, _BLK, 1), lambda i: (0, i, 0)),
        ],
        out_specs=pl.BlockSpec((_BLK, D), lambda i: (i, 0)),
        out_shape=jax.ShapeDtypeStruct((NP, D), jnp.float32),
    )(x_p, W1, deg)

    acc1 = _sc_agg_wide(hs, src2d, dst2d, z2).reshape(2, NP, D)

    ss = pl.pallas_call(
        _tc_mid,
        grid=(NP // _BLK,),
        in_specs=[
            pl.BlockSpec((2, _BLK, D), lambda i: (0, i, 0)),
            pl.BlockSpec((_BLK, D), lambda i: (i, 0)),
            pl.BlockSpec((2, _BLK, 1), lambda i: (0, i, 0)),
            pl.BlockSpec((D, 1), lambda i: (0, 0)),
            pl.BlockSpec((1, D), lambda i: (0, 0)),
        ],
        out_specs=pl.BlockSpec((_BLK, 1), lambda i: (i, 0)),
        out_shape=jax.ShapeDtypeStruct((NP, 1), jnp.float32),
    )(acc1, hs, deg, W2, b1.reshape(1, D))

    ss1 = ss.reshape(NP)
    acc2 = _sc_agg_scalar(ss1, src2d, dst2d, z1)

    out = pl.pallas_call(
        _tc_final80,
        in_specs=[
            pl.BlockSpec((2, 80, D), lambda: (0, 0, 0)),
            pl.BlockSpec((80, D), lambda: (0, 0)),
            pl.BlockSpec((2, 80, D), lambda: (0, 0, 0)),
            pl.BlockSpec((1, 1), lambda: (0, 0)),
        ],
        out_specs=pl.BlockSpec((80, D), lambda: (0, 0)),
        out_shape=jax.ShapeDtypeStruct((80, D), jnp.float32),
    )(acc2.reshape(2, 80, D), ss1.reshape(80, D), deg2.reshape(2, 80, D),
      b2.reshape(1, 1))

    return out.reshape(NP, 1)[:N]

# --- scband reference (transcript-rebuilt; emitter-appended) ---
"""Pipeline reference for scband-two-layer-gcn-34591666602851 (READ-ONLY COPY).

The authoritative reference and input builder live on the scoring server;
editing this copy changes nothing except your own understanding.
"""

import jax, jax.numpy as jnp
import numpy as np

N_NODES = 10000
N_EDGES = 320000
D_IN = 128
D_HID = 128


def _gcn_conv(x, edge_index, W, b):
    """GCNConv (Kipf & Welling): D^{-1/2}(A+I)D^{-1/2} X W + b."""
    N = x.shape[0]
    self_loops = jnp.arange(N, dtype=edge_index.dtype)
    src = jnp.concatenate([edge_index[0], self_loops])
    dst = jnp.concatenate([edge_index[1], self_loops])
    # degree computed on destination nodes (PyG convention)
    deg = jnp.zeros((N,), dtype=x.dtype).at[dst].add(1.0)
    deg_inv_sqrt = jnp.where(deg > 0, jax.lax.rsqrt(jnp.maximum(deg, 1.0)), 0.0)
    norm = deg_inv_sqrt[src] * deg_inv_sqrt[dst]
    h = x @ W
    msg = h[src] * norm[:, None]
    out = jnp.zeros((N, W.shape[1]), dtype=x.dtype).at[dst].add(msg)
    return out + b


def setup_inputs(seed: int = 0) -> dict:
    key = jax.random.key(seed)
    k_x, k_e, k_w1, k_w2 = jax.random.split(key, 4)
    x = jax.random.normal(k_x, (N_NODES, D_IN), dtype=jnp.float32)
    edge_index = jax.random.randint(k_e, (2, N_EDGES), 0, N_NODES, dtype=jnp.int64)
    # Glorot-style init for the two GCN layers
    W1 = jax.random.normal(k_w1, (D_IN, D_HID), dtype=jnp.float32) * (1.0 / np.sqrt(D_IN))
    b1 = jnp.zeros((D_HID,), dtype=jnp.float32)
    W2 = jax.random.normal(k_w2, (D_HID, 1), dtype=jnp.float32) * (1.0 / np.sqrt(D_HID))
    b2 = jnp.zeros((1,), dtype=jnp.float32)
    return {"x": x, "edge_index": edge_index, "W1": W1, "b1": b1, "W2": W2, "b2": b2}


def reference(x, edge_index, W1, b1, W2, b2):
    # conv1 -> relu
    h = _gcn_conv(x, edge_index, W1, b1)
    h = jax.nn.relu(h)
    # dropout is identity in eval mode (training=False)
    # conv2 -> sigmoid
    out = _gcn_conv(h, edge_index, W2, b2)
    return jax.nn.sigmoid(out)

if __name__ == "__main__":
    import jax
    _d = setup_inputs()
    print(jax.jit(kernel)(*tuple(_d.values())))

</pallas_src>

<mosaic_0001>
#map = affine_map<(d0, d1) -> (0)>
#map1 = affine_map<(d0, d1) -> (0, 0)>
module attributes {stable_mosaic.version = 14 : i64} {
  func.func @_sc_agg_scalar(%arg0: i32, %arg1: i32, %arg2: memref<10240xf32, #tpu.memory_space<hbm>>, %arg3: memref<2560x128xi32, #tpu.memory_space<hbm>>, %arg4: memref<2560x128xi32, #tpu.memory_space<hbm>>, %arg5: memref<10240xf32, #tpu.memory_space<hbm>>, %arg6: memref<2x10240xf32, #tpu.memory_space<hbm>>, %arg7: memref<10240xf32, #tpu.memory_space<vmem_shared>>, %arg8: memref<80x128xi32, #tpu.memory_space<vmem>>, %arg9: memref<80x128xi32, #tpu.memory_space<vmem>>, %arg10: memref<80x128xf32, #tpu.memory_space<vmem>>, %arg11: memref<!tpu.dma_semaphore, #tpu.memory_space<semaphore_mem>>, %arg12: memref<!tpu.dma_semaphore, #tpu.memory_space<semaphore_mem>>) attributes {dimension_semantics = [#tpu.dimension_semantics<core_parallel>, #tpu.dimension_semantics<subcore_parallel>], iteration_bounds = array<i64: 2, 16>, scalar_prefetch = 0 : i64, scratch_operands = 6 : i64, tpu.core_type = #tpu.core_type<sc_vector_subcore>, window_params = [{transform_indices = #map}, {transform_indices = #map1}, {transform_indices = #map1}, {transform_indices = #map}, {transform_indices = #map1}]} {
    %mul3A = arith.constant 2 : i32
    %mul3A_0 = arith.muli %arg1, %mul3A : i32
    %add3A = arith.addi %mul3A_0, %arg0 : i32
    %mul3A_1 = arith.constant 640 : i32
    %mul3A_2 = arith.muli %arg1, %mul3A_1 : i32
    %mul3A_3 = arith.constant 80 : i32
    %mul3A_4 = arith.muli %add3A, %mul3A_3 : i32
    "tpu.region"() ({
      %run_scoped3A = tpu.sem_alloc : memref<!tpu.dma_semaphore, #tpu.memory_space<semaphore_mem>>
      %dma_start3A = arith.constant 0 : i32
      %dma_start3A_28 = tpu.memref_slice %arg3[%mul3A_4, %dma_start3A] : memref<2560x128xi32, #tpu.memory_space<hbm>> -> memref<80x128xi32, #tpu.memory_space<hbm>>
      %dma_start3A_29 = arith.constant 0 : i32
      %dma_start3A_30 = tpu.memref_slice %arg3[%mul3A_4, %dma_start3A_29] : memref<2560x128xi32, #tpu.memory_space<hbm>> -> memref<80x128xi32, #tpu.memory_space<hbm>>
      tpu.enqueue_dma source(%dma_start3A_30 : memref<80x128xi32, #tpu.memory_space<hbm>>) target(%arg8 : memref<80x128xi32, #tpu.memory_space<vmem>>) target_semaphore(%run_scoped3A : memref<!tpu.dma_semaphore, #tpu.memory_space<semaphore_mem>>)
      %dma_wait3A = arith.constant 0 : i32
      %dma_wait3A_31 = tpu.memref_slice %arg3[%mul3A_4, %dma_wait3A] : memref<2560x128xi32, #tpu.memory_space<hbm>> -> memref<80x128xi32, #tpu.memory_space<hbm>>
      %dma_wait3A_32 = arith.constant 0 : i32
      %dma_wait3A_33 = tpu.memref_slice %arg3[%mul3A_4, %dma_wait3A_32] : memref<2560x128xi32, #tpu.memory_space<hbm>> -> memref<80x128xi32, #tpu.memory_space<hbm>>
      tpu.wait_dma2 semaphore(%run_scoped3A : memref<!tpu.dma_semaphore, #tpu.memory_space<semaphore_mem>>) src(%dma_wait3A_33 : memref<80x128xi32, #tpu.memory_space<hbm>>) dst(%arg8 : memref<80x128xi32, #tpu.memory_space<vmem>>)
      tpu.yield
    }) : () -> ()
    %mul3A_5 = arith.constant 80 : i32
    %mul3A_6 = arith.muli %add3A, %mul3A_5 : i32
    "tpu.region"() ({
      %run_scoped3A = tpu.sem_alloc : memref<!tpu.dma_semaphore, #tpu.memory_space<semaphore_mem>>
      %dma_start3A = arith.constant 0 : i32
      %dma_start3A_28 = tpu.memref_slice %arg4[%mul3A_6, %dma_start3A] : memref<2560x128xi32, #tpu.memory_space<hbm>> -> memref<80x128xi32, #tpu.memory_space<hbm>>
      %dma_start3A_29 = arith.constant 0 : i32
      %dma_start3A_30 = tpu.memref_slice %arg4[%mul3A_6, %dma_start3A_29] : memref<2560x128xi32, #tpu.memory_space<hbm>> -> memref<80x128xi32, #tpu.memory_space<hbm>>
      tpu.enqueue_dma source(%dma_start3A_30 : memref<80x128xi32, #tpu.memory_space<hbm>>) target(%arg9 : memref<80x128xi32, #tpu.memory_space<vmem>>) target_semaphore(%run_scoped3A : memref<!tpu.dma_semaphore, #tpu.memory_space<semaphore_mem>>)
      %dma_wait3A = arith.constant 0 : i32
      %dma_wait3A_31 = tpu.memref_slice %arg4[%mul3A_6, %dma_wait3A] : memref<2560x128xi32, #tpu.memory_space<hbm>> -> memref<80x128xi32, #tpu.memory_space<hbm>>
      %dma_wait3A_32 = arith.constant 0 : i32
      %dma_wait3A_33 = tpu.memref_slice %arg4[%mul3A_6, %dma_wait3A_32] : memref<2560x128xi32, #tpu.memory_space<hbm>> -> memref<80x128xi32, #tpu.memory_space<hbm>>
      tpu.wait_dma2 semaphore(%run_scoped3A : memref<!tpu.dma_semaphore, #tpu.memory_space<semaphore_mem>>) src(%dma_wait3A_33 : memref<80x128xi32, #tpu.memory_space<hbm>>) dst(%arg9 : memref<80x128xi32, #tpu.memory_space<vmem>>)
      tpu.yield
    }) : () -> ()
    "tpu.region"() ({
      %run_scoped3A = tpu.sem_alloc : memref<!tpu.dma_semaphore, #tpu.memory_space<semaphore_mem>>
      %dma_start3A = tpu.memref_slice %arg7[%mul3A_2] : memref<10240xf32, #tpu.memory_space<vmem_shared>> -> memref<640xf32, #tpu.memory_space<vmem_shared>>
      %dma_start3A_28 = tpu.memref_slice %arg5[%mul3A_2] : memref<10240xf32, #tpu.memory_space<hbm>> -> memref<640xf32, #tpu.memory_space<hbm>>
      tpu.enqueue_dma source(%dma_start3A_28 : memref<640xf32, #tpu.memory_space<hbm>>) target(%dma_start3A : memref<640xf32, #tpu.memory_space<vmem_shared>>) target_semaphore(%run_scoped3A : memref<!tpu.dma_semaphore, #tpu.memory_space<semaphore_mem>>)
      %dma_wait3A = tpu.memref_slice %arg7[%mul3A_2] : memref<10240xf32, #tpu.memory_space<vmem_shared>> -> memref<640xf32, #tpu.memory_space<vmem_shared>>
      %dma_wait3A_29 = tpu.memref_slice %arg5[%mul3A_2] : memref<10240xf32, #tpu.memory_space<hbm>> -> memref<640xf32, #tpu.memory_space<hbm>>
      tpu.wait_dma2 semaphore(%run_scoped3A : memref<!tpu.dma_semaphore, #tpu.memory_space<semaphore_mem>>) src(%dma_wait3A_29 : memref<640xf32, #tpu.memory_space<hbm>>) dst(%dma_wait3A : memref<640xf32, #tpu.memory_space<vmem_shared>>)
      tpu.yield
    }) : () -> ()
    %barrier3A = arith.constant 0 : index
    tpu.barrier barrier_id(%barrier3A)
    %scan3A = arith.constant 0 : i32
    %scan3A_7 = arith.constant 0 : i32
    %scan3A_8 = arith.constant 80 : i32
    %scan3A_9 = arith.addi %scan3A_7, %scan3A_8 : i32
    %scan3A_10 = arith.constant 1 : i32
    %scan3A_11 = scf.for %scan3A_28 = %scan3A_7 to %scan3A_9 step %scan3A_10 iter_args(%scan3A_29 = %scan3A) -> (i32)  : i32 {
      %dma_start3A = arith.constant 0 : i32
      %dma_start3A_30 = tpu.memref_slice %arg10[%scan3A_28, %dma_start3A] : memref<80x128xf32, #tpu.memory_space<vmem>> -> memref<1x128xf32, #tpu.memory_space<vmem>>
      %dma_start3A_31 = tpu.memref_squeeze %dma_start3A_30 : memref<1x128xf32, #tpu.memory_space<vmem>> -> memref<128xf32, #tpu.memory_space<vmem>>
      %dma_start3A_32 = arith.constant 0 : i32
      %dma_start3A_33 = tpu.memref_slice %arg8[%scan3A_28, %dma_start3A_32] : memref<80x128xi32, #tpu.memory_space<vmem>> -> memref<1x128xi32, #tpu.memory_space<vmem>>
      %dma_start3A_34 = tpu.memref_squeeze %dma_start3A_33 : memref<1x128xi32, #tpu.memory_space<vmem>> -> memref<128xi32, #tpu.memory_space<vmem>>
      %dma_start3A_35 = arith.constant 0 : i32
      %dma_start3A_36 = tpu.memref_slice %arg2[%dma_start3A_35] : memref<10240xf32, #tpu.memory_space<hbm>> -> memref<10240xf32, #tpu.memory_space<hbm>>
      tpu.enqueue_indirect_dma source(%dma_start3A_36 : memref<10240xf32, #tpu.memory_space<hbm>>) target(%dma_start3A_31 : memref<128xf32, #tpu.memory_space<vmem>>) offsets(%dma_start3A_34 : memref<128xi32, #tpu.memory_space<vmem>>) semaphore(%arg11 : memref<!tpu.dma_semaphore, #tpu.memory_space<semaphore_mem>>)
      %scan3A_37 = arith.constant 0 : i32
      scf.yield %scan3A_37 : i32
    }
    %scan3A_12 = arith.constant 80 : i32
    %scan3A_13 = arith.constant 0 : i32
    %scan3A_14 = arith.constant 0 : i32
    %scan3A_15 = arith.constant 80 : i32
    %scan3A_16 = arith.addi %scan3A_14, %scan3A_15 : i32
    %scan3A_17 = arith.constant 1 : i32
    %scan3A_18 = scf.for %scan3A_28 = %scan3A_14 to %scan3A_16 step %scan3A_17 iter_args(%scan3A_29 = %scan3A_13) -> (i32)  : i32 {
      %dma_wait3A = arith.constant 0 : i32
      %dma_wait3A_30 = tpu.memref_slice %arg10[%scan3A_28, %dma_wait3A] : memref<80x128xf32, #tpu.memory_space<vmem>> -> memref<1x128xf32, #tpu.memory_space<vmem>>
      %dma_wait3A_31 = tpu.memref_squeeze %dma_wait3A_30 : memref<1x128xf32, #tpu.memory_space<vmem>> -> memref<128xf32, #tpu.memory_space<vmem>>
      %dma_wait3A_32 = arith.constant 0 : i32
      %dma_wait3A_33 = tpu.memref_slice %arg8[%scan3A_28, %dma_wait3A_32] : memref<80x128xi32, #tpu.memory_space<vmem>> -> memref<1x128xi32, #tpu.memory_space<vmem>>
      %dma_wait3A_34 = tpu.memref_squeeze %dma_wait3A_33 : memref<1x128xi32, #tpu.memory_space<vmem>> -> memref<128xi32, #tpu.memory_space<vmem>>
      %dma_wait3A_35 = arith.constant 0 : i32
      %dma_wait3A_36 = tpu.memref_slice %arg2[%dma_wait3A_35] : memref<10240xf32, #tpu.memory_space<hbm>> -> memref<10240xf32, #tpu.memory_space<hbm>>
      tpu.wait_indirect_dma semaphore(%arg11 : memref<!tpu.dma_semaphore, #tpu.memory_space<semaphore_mem>>) src(%dma_wait3A_36 : memref<10240xf32, #tpu.memory_space<hbm>>) dst(%dma_wait3A_31 : memref<128xf32, #tpu.memory_space<vmem>>)
      %dma_start3A = arith.constant 0 : i32
      %dma_start3A_37 = tpu.memref_slice %arg10[%scan3A_28, %dma_start3A] : memref<80x128xf32, #tpu.memory_space<vmem>> -> memref<1x128xf32, #tpu.memory_space<vmem>>
      %dma_start3A_38 = tpu.memref_squeeze %dma_start3A_37 : memref<1x128xf32, #tpu.memory_space<vmem>> -> memref<128xf32, #tpu.memory_space<vmem>>
      %dma_start3A_39 = arith.constant 0 : i32
      %dma_start3A_40 = tpu.memref_slice %arg9[%scan3A_28, %dma_start3A_39] : memref<80x128xi32, #tpu.memory_space<vmem>> -> memref<1x128xi32, #tpu.memory_space<vmem>>
      %dma_start3A_41 = tpu.memref_squeeze %dma_start3A_40 : memref<1x128xi32, #tpu.memory_space<vmem>> -> memref<128xi32, #tpu.memory_space<vmem>>
      %dma_start3A_42 = arith.constant 0 : i32
      %dma_start3A_43 = tpu.memref_slice %arg7[%dma_start3A_42] : memref<10240xf32, #tpu.memory_space<vmem_shared>> -> memref<10240xf32, #tpu.memory_space<vmem_shared>>
      tpu.enqueue_indirect_dma source(%dma_start3A_38 : memref<128xf32, #tpu.memory_space<vmem>>) target(%dma_start3A_43 : memref<10240xf32, #tpu.memory_space<vmem_shared>>) offsets(%dma_start3A_41 : memref<128xi32, #tpu.memory_space<vmem>>) semaphore(%arg12 : memref<!tpu.dma_semaphore, #tpu.memory_space<semaphore_mem>>) {add = true}
      %scan3A_44 = arith.constant 0 : i32
      scf.yield %scan3A_44 : i32
    }
    %scan3A_19 = arith.constant 80 : i32
    %scan3A_20 = arith.constant 0 : i32
    %scan3A_21 = arith.constant 0 : i32
    %scan3A_22 = arith.constant 80 : i32
    %scan3A_23 = arith.addi %scan3A_21, %scan3A_22 : i32
    %scan3A_24 = arith.constant 1 : i32
    %scan3A_25 = scf.for %scan3A_28 = %scan3A_21 to %scan3A_23 step %scan3A_24 iter_args(%scan3A_29 = %scan3A_20) -> (i32)  : i32 {
      %dma_wait3A = arith.constant 0 : i32
      %dma_wait3A_30 = tpu.memref_slice %arg10[%scan3A_28, %dma_wait3A] : memref<80x128xf32, #tpu.memory_space<vmem>> -> memref<1x128xf32, #tpu.memory_space<vmem>>
      %dma_wait3A_31 = tpu.memref_squeeze %dma_wait3A_30 : memref<1x128xf32, #tpu.memory_space<vmem>> -> memref<128xf32, #tpu.memory_space<vmem>>
      %dma_wait3A_32 = arith.constant 0 : i32
      %dma_wait3A_33 = tpu.memref_slice %arg9[%scan3A_28, %dma_wait3A_32] : memref<80x128xi32, #tpu.memory_space<vmem>> -> memref<1x128xi32, #tpu.memory_space<vmem>>
      %dma_wait3A_34 = tpu.memref_squeeze %dma_wait3A_33 : memref<1x128xi32, #tpu.memory_space<vmem>> -> memref<128xi32, #tpu.memory_space<vmem>>
      %dma_wait3A_35 = arith.constant 0 : i32
      %dma_wait3A_36 = tpu.memref_slice %arg7[%dma_wait3A_35] : memref<10240xf32, #tpu.memory_space<vmem_shared>> -> memref<10240xf32, #tpu.memory_space<vmem_shared>>
      tpu.wait_indirect_dma semaphore(%arg12 : memref<!tpu.dma_semaphore, #tpu.memory_space<semaphore_mem>>) src(%dma_wait3A_31 : memref<128xf32, #tpu.memory_space<vmem>>) dst(%dma_wait3A_36 : memref<10240xf32, #tpu.memory_space<vmem_shared>>)
      %scan3A_37 = arith.constant 0 : i32
      scf.yield %scan3A_37 : i32
    }
    %scan3A_26 = arith.constant 80 : i32
    %barrier3A_27 = arith.constant 0 : index
    tpu.barrier barrier_id(%barrier3A_27)
    "tpu.region"() ({
      %run_scoped3A = tpu.sem_alloc : memref<!tpu.dma_semaphore, #tpu.memory_space<semaphore_mem>>
      %dma_start3A = tpu.memref_slice %arg6[%arg0, %mul3A_2] : memref<2x10240xf32, #tpu.memory_space<hbm>> -> memref<1x640xf32, #tpu.memory_space<hbm>>
      %dma_start3A_28 = tpu.memref_squeeze %dma_start3A : memref<1x640xf32, #tpu.memory_space<hbm>> -> memref<640xf32, #tpu.memory_space<hbm>>
      %dma_start3A_29 = tpu.memref_slice %arg7[%mul3A_2] : memref<10240xf32, #tpu.memory_space<vmem_shared>> -> memref<640xf32, #tpu.memory_space<vmem_shared>>
      tpu.enqueue_dma source(%dma_start3A_29 : memref<640xf32, #tpu.memory_space<vmem_shared>>) target(%dma_start3A_28 : memref<640xf32, #tpu.memory_space<hbm>>) target_semaphore(%run_scoped3A : memref<!tpu.dma_semaphore, #tpu.memory_space<semaphore_mem>>)
      %dma_wait3A = tpu.memref_slice %arg6[%arg0, %mul3A_2] : memref<2x10240xf32, #tpu.memory_space<hbm>> -> memref<1x640xf32, #tpu.memory_space<hbm>>
      %dma_wait3A_30 = tpu.memref_squeeze %dma_wait3A : memref<1x640xf32, #tpu.memory_space<hbm>> -> memref<640xf32, #tpu.memory_space<hbm>>
      %dma_wait3A_31 = tpu.memref_slice %arg7[%mul3A_2] : memref<10240xf32, #tpu.memory_space<vmem_shared>> -> memref<640xf32, #tpu.memory_space<vmem_shared>>
      tpu.wait_dma2 semaphore(%run_scoped3A : memref<!tpu.dma_semaphore, #tpu.memory_space<semaphore_mem>>) src(%dma_wait3A_31 : memref<640xf32, #tpu.memory_space<vmem_shared>>) dst(%dma_wait3A_30 : memref<640xf32, #tpu.memory_space<hbm>>)
      tpu.yield
    }) : () -> ()
    return
  }
}

#map = affine_map<(d0, d1) -> (0, 0)>
#map1 = affine_map<(d0, d1) -> (0)>
module attributes {stable_mosaic.version = 14 : i64} {
  func.func @_sc_degree(%arg0: i32, %arg1: i32, %arg2: memref<2560x128xi32, #tpu.memory_space<hbm>>, %arg3: memref<10240xf32, #tpu.memory_space<hbm>>, %arg4: memref<128xf32, #tpu.memory_space<hbm>>, %arg5: memref<2x10240xf32, #tpu.memory_space<hbm>>, %arg6: memref<10240xf32, #tpu.memory_space<vmem_shared>>, %arg7: memref<80x128xi32, #tpu.memory_space<vmem>>, %arg8: memref<128xf32, #tpu.memory_space<vmem>>, %arg9: memref<!tpu.dma_semaphore, #tpu.memory_space<semaphore_mem>>) attributes {dimension_semantics = [#tpu.dimension_semantics<core_parallel>, #tpu.dimension_semantics<subcore_parallel>], iteration_bounds = array<i64: 2, 16>, scalar_prefetch = 0 : i64, scratch_operands = 4 : i64, tpu.core_type = #tpu.core_type<sc_vector_subcore>, window_params = [{transform_indices = #map}, {transform_indices = #map1}, {transform_indices = #map1}, {transform_indices = #map}]} {
    %mul3A = arith.constant 2 : i32
    %mul3A_0 = arith.muli %arg1, %mul3A : i32
    %add3A = arith.addi %mul3A_0, %arg0 : i32
    %mul3A_1 = arith.constant 640 : i32
    %mul3A_2 = arith.muli %arg1, %mul3A_1 : i32
    "tpu.region"() ({
      %run_scoped3A = tpu.sem_alloc : memref<!tpu.dma_semaphore, #tpu.memory_space<semaphore_mem>>
      tpu.enqueue_dma source(%arg4 : memref<128xf32, #tpu.memory_space<hbm>>) target(%arg8 : memref<128xf32, #tpu.memory_space<vmem>>) target_semaphore(%run_scoped3A : memref<!tpu.dma_semaphore, #tpu.memory_space<semaphore_mem>>)
      tpu.wait_dma2 semaphore(%run_scoped3A : memref<!tpu.dma_semaphore, #tpu.memory_space<semaphore_mem>>) src(%arg4 : memref<128xf32, #tpu.memory_space<hbm>>) dst(%arg8 : memref<128xf32, #tpu.memory_space<vmem>>)
      tpu.yield
    }) : () -> ()
    %mul3A_3 = arith.constant 80 : i32
    %mul3A_4 = arith.muli %add3A, %mul3A_3 : i32
    "tpu.region"() ({
      %run_scoped3A = tpu.sem_alloc : memref<!tpu.dma_semaphore, #tpu.memory_space<semaphore_mem>>
      %dma_start3A = arith.constant 0 : i32
      %dma_start3A_19 = tpu.memref_slice %arg2[%mul3A_4, %dma_start3A] : memref<2560x128xi32, #tpu.memory_space<hbm>> -> memref<80x128xi32, #tpu.memory_space<hbm>>
      %dma_start3A_20 = arith.constant 0 : i32
      %dma_start3A_21 = tpu.memref_slice %arg2[%mul3A_4, %dma_start3A_20] : memref<2560x128xi32, #tpu.memory_space<hbm>> -> memref<80x128xi32, #tpu.memory_space<hbm>>
      tpu.enqueue_dma source(%dma_start3A_21 : memref<80x128xi32, #tpu.memory_space<hbm>>) target(%arg7 : memref<80x128xi32, #tpu.memory_space<vmem>>) target_semaphore(%run_scoped3A : memref<!tpu.dma_semaphore, #tpu.memory_space<semaphore_mem>>)
      %dma_wait3A = arith.constant 0 : i32
      %dma_wait3A_22 = tpu.memref_slice %arg2[%mul3A_4, %dma_wait3A] : memref<2560x128xi32, #tpu.memory_space<hbm>> -> memref<80x128xi32, #tpu.memory_space<hbm>>
      %dma_wait3A_23 = arith.constant 0 : i32
      %dma_wait3A_24 = tpu.memref_slice %arg2[%mul3A_4, %dma_wait3A_23] : memref<2560x128xi32, #tpu.memory_space<hbm>> -> memref<80x128xi32, #tpu.memory_space<hbm>>
      tpu.wait_dma2 semaphore(%run_scoped3A : memref<!tpu.dma_semaphore, #tpu.memory_space<semaphore_mem>>) src(%dma_wait3A_24 : memref<80x128xi32, #tpu.memory_space<hbm>>) dst(%arg7 : memref<80x128xi32, #tpu.memory_space<vmem>>)
      tpu.yield
    }) : () -> ()
    "tpu.region"() ({
      %run_scoped3A = tpu.sem_alloc : memref<!tpu.dma_semaphore, #tpu.memory_space<semaphore_mem>>
      %dma_start3A = tpu.memref_slice %arg6[%mul3A_2] : memref<10240xf32, #tpu.memory_space<vmem_shared>> -> memref<640xf32, #tpu.memory_space<vmem_shared>>
      %dma_start3A_19 = tpu.memref_slice %arg3[%mul3A_2] : memref<10240xf32, #tpu.memory_space<hbm>> -> memref<640xf32, #tpu.memory_space<hbm>>
      tpu.enqueue_dma source(%dma_start3A_19 : memref<640xf32, #tpu.memory_space<hbm>>) target(%dma_start3A : memref<640xf32, #tpu.memory_space<vmem_shared>>) target_semaphore(%run_scoped3A : memref<!tpu.dma_semaphore, #tpu.memory_space<semaphore_mem>>)
      %dma_wait3A = tpu.memref_slice %arg6[%mul3A_2] : memref<10240xf32, #tpu.memory_space<vmem_shared>> -> memref<640xf32, #tpu.memory_space<vmem_shared>>
      %dma_wait3A_20 = tpu.memref_slice %arg3[%mul3A_2] : memref<10240xf32, #tpu.memory_space<hbm>> -> memref<640xf32, #tpu.memory_space<hbm>>
      tpu.wait_dma2 semaphore(%run_scoped3A : memref<!tpu.dma_semaphore, #tpu.memory_space<semaphore_mem>>) src(%dma_wait3A_20 : memref<640xf32, #tpu.memory_space<hbm>>) dst(%dma_wait3A : memref<640xf32, #tpu.memory_space<vmem_shared>>)
      tpu.yield
    }) : () -> ()
    %barrier3A = arith.constant 0 : index
    tpu.barrier barrier_id(%barrier3A)
    %scan3A = arith.constant 0 : i32
    %scan3A_5 = arith.constant 0 : i32
    %scan3A_6 = arith.constant 80 : i32
    %scan3A_7 = arith.addi %scan3A_5, %scan3A_6 : i32
    %scan3A_8 = arith.constant 1 : i32
    %scan3A_9 = scf.for %scan3A_19 = %scan3A_5 to %scan3A_7 step %scan3A_8 iter_args(%scan3A_20 = %scan3A) -> (i32)  : i32 {
      %dma_start3A = arith.constant 0 : i32
      %dma_start3A_21 = tpu.memref_slice %arg7[%scan3A_19, %dma_start3A] : memref<80x128xi32, #tpu.memory_space<vmem>> -> memref<1x128xi32, #tpu.memory_space<vmem>>
      %dma_start3A_22 = tpu.memref_squeeze %dma_start3A_21 : memref<1x128xi32, #tpu.memory_space<vmem>> -> memref<128xi32, #tpu.memory_space<vmem>>
      %dma_start3A_23 = arith.constant 0 : i32
      %dma_start3A_24 = tpu.memref_slice %arg6[%dma_start3A_23] : memref<10240xf32, #tpu.memory_space<vmem_shared>> -> memref<10240xf32, #tpu.memory_space<vmem_shared>>
      tpu.enqueue_indirect_dma source(%arg8 : memref<128xf32, #tpu.memory_space<vmem>>) target(%dma_start3A_24 : memref<10240xf32, #tpu.memory_space<vmem_shared>>) offsets(%dma_start3A_22 : memref<128xi32, #tpu.memory_space<vmem>>) semaphore(%arg9 : memref<!tpu.dma_semaphore, #tpu.memory_space<semaphore_mem>>) {add = true}
      %scan3A_25 = arith.constant 0 : i32
      scf.yield %scan3A_25 : i32
    }
    %scan3A_10 = arith.constant 80 : i32
    %scan3A_11 = arith.constant 0 : i32
    %scan3A_12 = arith.constant 0 : i32
    %scan3A_13 = arith.constant 80 : i32
    %scan3A_14 = arith.addi %scan3A_12, %scan3A_13 : i32
    %scan3A_15 = arith.constant 1 : i32
    %scan3A_16 = scf.for %scan3A_19 = %scan3A_12 to %scan3A_14 step %scan3A_15 iter_args(%scan3A_20 = %scan3A_11) -> (i32)  : i32 {
      %dma_wait3A = arith.constant 0 : i32
      %dma_wait3A_21 = tpu.memref_slice %arg7[%scan3A_19, %dma_wait3A] : memref<80x128xi32, #tpu.memory_space<vmem>> -> memref<1x128xi32, #tpu.memory_space<vmem>>
      %dma_wait3A_22 = tpu.memref_squeeze %dma_wait3A_21 : memref<1x128xi32, #tpu.memory_space<vmem>> -> memref<128xi32, #tpu.memory_space<vmem>>
      %dma_wait3A_23 = arith.constant 0 : i32
      %dma_wait3A_24 = tpu.memref_slice %arg6[%dma_wait3A_23] : memref<10240xf32, #tpu.memory_space<vmem_shared>> -> memref<10240xf32, #tpu.memory_space<vmem_shared>>
      tpu.wait_indirect_dma semaphore(%arg9 : memref<!tpu.dma_semaphore, #tpu.memory_space<semaphore_mem>>) src(%arg8 : memref<128xf32, #tpu.memory_space<vmem>>) dst(%dma_wait3A_24 : memref<10240xf32, #tpu.memory_space<vmem_shared>>)
      %scan3A_25 = arith.constant 0 : i32
      scf.yield %scan3A_25 : i32
    }
    %scan3A_17 = arith.constant 80 : i32
    %barrier3A_18 = arith.constant 0 : index
    tpu.barrier barrier_id(%barrier3A_18)
    "tpu.region"() ({
      %run_scoped3A = tpu.sem_alloc : memref<!tpu.dma_semaphore, #tpu.memory_space<semaphore_mem>>
      %dma_start3A = tpu.memref_slice %arg5[%arg0, %mul3A_2] : memref<2x10240xf32, #tpu.memory_space<hbm>> -> memref<1x640xf32, #tpu.memory_space<hbm>>
      %dma_start3A_19 = tpu.memref_squeeze %dma_start3A : memref<1x640xf32, #tpu.memory_space<hbm>> -> memref<640xf32, #tpu.memory_space<hbm>>
      %dma_start3A_20 = tpu.memref_slice %arg6[%mul3A_2] : memref<10240xf32, #tpu.memory_space<vmem_shared>> -> memref<640xf32, #tpu.memory_space<vmem_shared>>
      tpu.enqueue_dma source(%dma_start3A_20 : memref<640xf32, #tpu.memory_space<vmem_shared>>) target(%dma_start3A_19 : memref<640xf32, #tpu.memory_space<hbm>>) target_semaphore(%run_scoped3A : memref<!tpu.dma_semaphore, #tpu.memory_space<semaphore_mem>>)
      %dma_wait3A = tpu.memref_slice %arg5[%arg0, %mul3A_2] : memref<2x10240xf32, #tpu.memory_space<hbm>> -> memref<1x640xf32, #tpu.memory_space<hbm>>
      %dma_wait3A_21 = tpu.memref_squeeze %dma_wait3A : memref<1x640xf32, #tpu.memory_space<hbm>> -> memref<640xf32, #tpu.memory_space<hbm>>
      %dma_wait3A_22 = tpu.memref_slice %arg6[%mul3A_2] : memref<10240xf32, #tpu.memory_space<vmem_shared>> -> memref<640xf32, #tpu.memory_space<vmem_shared>>
      tpu.wait_dma2 semaphore(%run_scoped3A : memref<!tpu.dma_semaphore, #tpu.memory_space<semaphore_mem>>) src(%dma_wait3A_22 : memref<640xf32, #tpu.memory_space<vmem_shared>>) dst(%dma_wait3A_21 : memref<640xf32, #tpu.memory_space<hbm>>)
      tpu.yield
    }) : () -> ()
    return
  }
}

#map = affine_map<(d0, d1) -> (0, 0)>
#map1 = affine_map<(d0, d1) -> (0, 0, 0, 0)>
module attributes {stable_mosaic.version = 14 : i64} {
  func.func @_sc_agg_wide(%arg0: i32, %arg1: i32, %arg2: memref<10240x128xf32, #tpu.memory_space<hbm>>, %arg3: memref<2560x128xi32, #tpu.memory_space<hbm>>, %arg4: memref<2560x128xi32, #tpu.memory_space<hbm>>, %arg5: memref<10240x128xf32, #tpu.memory_space<hbm>>, %arg6: memref<2x16x640x128xf32, #tpu.memory_space<hbm>>, %arg7: memref<10240x128xf32, #tpu.memory_space<vmem_shared>>, %arg8: memref<40x128xi32, #tpu.memory_space<vmem>>, %arg9: memref<40x128xi32, #tpu.memory_space<vmem>>, %arg10: memref<128x128xf32, #tpu.memory_space<vmem>>, %arg11: memref<128x128xf32, #tpu.memory_space<vmem>>, %arg12: memref<!tpu.dma_semaphore, #tpu.memory_space<semaphore_mem>>, %arg13: memref<!tpu.dma_semaphore, #tpu.memory_space<semaphore_mem>>, %arg14: memref<!tpu.dma_semaphore, #tpu.memory_space<semaphore_mem>>, %arg15: memref<!tpu.dma_semaphore, #tpu.memory_space<semaphore_mem>>) attributes {dimension_semantics = [#tpu.dimension_semantics<core_parallel>, #tpu.dimension_semantics<subcore_parallel>], iteration_bounds = array<i64: 2, 16>, scalar_prefetch = 0 : i64, scratch_operands = 9 : i64, tpu.core_type = #tpu.core_type<sc_vector_subcore>, window_params = [{transform_indices = #map}, {transform_indices = #map}, {transform_indices = #map}, {transform_indices = #map}, {transform_indices = #map1}]} {
    %mul3A = arith.constant 2 : i32
    %mul3A_0 = arith.muli %arg1, %mul3A : i32
    %add3A = arith.addi %mul3A_0, %arg0 : i32
    %mul3A_1 = arith.constant 640 : i32
    %mul3A_2 = arith.muli %arg1, %mul3A_1 : i32
    "tpu.region"() ({
      %run_scoped3A = tpu.sem_alloc : memref<!tpu.dma_semaphore, #tpu.memory_space<semaphore_mem>>
      %dma_start3A = arith.constant 0 : i32
      %dma_start3A_12 = tpu.memref_slice %arg7[%mul3A_2, %dma_start3A] : memref<10240x128xf32, #tpu.memory_space<vmem_shared>> -> memref<640x128xf32, #tpu.memory_space<vmem_shared>>
      %dma_start3A_13 = arith.constant 0 : i32
      %dma_start3A_14 = tpu.memref_slice %arg5[%mul3A_2, %dma_start3A_13] : memref<10240x128xf32, #tpu.memory_space<hbm>> -> memref<640x128xf32, #tpu.memory_space<hbm>>
      tpu.enqueue_dma source(%dma_start3A_14 : memref<640x128xf32, #tpu.memory_space<hbm>>) target(%dma_start3A_12 : memref<640x128xf32, #tpu.memory_space<vmem_shared>>) target_semaphore(%run_scoped3A : memref<!tpu.dma_semaphore, #tpu.memory_space<semaphore_mem>>)
      %dma_wait3A = arith.constant 0 : i32
      %dma_wait3A_15 = tpu.memref_slice %arg7[%mul3A_2, %dma_wait3A] : memref<10240x128xf32, #tpu.memory_space<vmem_shared>> -> memref<640x128xf32, #tpu.memory_space<vmem_shared>>
      %dma_wait3A_16 = arith.constant 0 : i32
      %dma_wait3A_17 = tpu.memref_slice %arg5[%mul3A_2, %dma_wait3A_16] : memref<10240x128xf32, #tpu.memory_space<hbm>> -> memref<640x128xf32, #tpu.memory_space<hbm>>
      tpu.wait_dma2 semaphore(%run_scoped3A : memref<!tpu.dma_semaphore, #tpu.memory_space<semaphore_mem>>) src(%dma_wait3A_17 : memref<640x128xf32, #tpu.memory_space<hbm>>) dst(%dma_wait3A_15 : memref<640x128xf32, #tpu.memory_space<vmem_shared>>)
      tpu.yield
    }) : () -> ()
    %barrier3A = arith.constant 0 : index
    tpu.barrier barrier_id(%barrier3A)
    %mul3A_3 = arith.constant 80 : i32
    %mul3A_4 = arith.muli %add3A, %mul3A_3 : i32
    %scan3A = arith.constant 0 : i32
    %scan3A_5 = arith.constant 0 : i32
    %scan3A_6 = arith.constant 2 : i32
    %scan3A_7 = arith.addi %scan3A_5, %scan3A_6 : i32
    %scan3A_8 = arith.constant 1 : i32
    %scan3A_9 = scf.for %scan3A_12 = %scan3A_5 to %scan3A_7 step %scan3A_8 iter_args(%scan3A_13 = %scan3A) -> (i32)  : i32 {
      %mul3A_14 = arith.constant 40 : i32
      %mul3A_15 = arith.muli %scan3A_12, %mul3A_14 : i32
      %add3A_16 = arith.addi %mul3A_4, %mul3A_15 : i32
      "tpu.region"() ({
        %run_scoped3A = tpu.sem_alloc : memref<!tpu.dma_semaphore, #tpu.memory_space<semaphore_mem>>
        %dma_start3A_37 = arith.constant 0 : i32
        %dma_start3A_38 = tpu.memref_slice %arg3[%add3A_16, %dma_start3A_37] : memref<2560x128xi32, #tpu.memory_space<hbm>> -> memref<40x128xi32, #tpu.memory_space<hbm>>
        %dma_start3A_39 = arith.constant 0 : i32
        %dma_start3A_40 = tpu.memref_slice %arg3[%add3A_16, %dma_start3A_39] : memref<2560x128xi32, #tpu.memory_space<hbm>> -> memref<40x128xi32, #tpu.memory_space<hbm>>
        tpu.enqueue_dma source(%dma_start3A_40 : memref<40x128xi32, #tpu.memory_space<hbm>>) target(%arg8 : memref<40x128xi32, #tpu.memory_space<vmem>>) target_semaphore(%run_scoped3A : memref<!tpu.dma_semaphore, #tpu.memory_space<semaphore_mem>>)
        %dma_wait3A_41 = arith.constant 0 : i32
        %dma_wait3A_42 = tpu.memref_slice %arg3[%add3A_16, %dma_wait3A_41] : memref<2560x128xi32, #tpu.memory_space<hbm>> -> memref<40x128xi32, #tpu.memory_space<hbm>>
        %dma_wait3A_43 = arith.constant 0 : i32
        %dma_wait3A_44 = tpu.memref_slice %arg3[%add3A_16, %dma_wait3A_43] : memref<2560x128xi32, #tpu.memory_space<hbm>> -> memref<40x128xi32, #tpu.memory_space<hbm>>
        tpu.wait_dma2 semaphore(%run_scoped3A : memref<!tpu.dma_semaphore, #tpu.memory_space<semaphore_mem>>) src(%dma_wait3A_44 : memref<40x128xi32, #tpu.memory_space<hbm>>) dst(%arg8 : memref<40x128xi32, #tpu.memory_space<vmem>>)
        tpu.yield
      }) : () -> ()
      "tpu.region"() ({
        %run_scoped3A = tpu.sem_alloc : memref<!tpu.dma_semaphore, #tpu.memory_space<semaphore_mem>>
        %dma_start3A_37 = arith.constant 0 : i32
        %dma_start3A_38 = tpu.memref_slice %arg4[%add3A_16, %dma_start3A_37] : memref<2560x128xi32, #tpu.memory_space<hbm>> -> memref<40x128xi32, #tpu.memory_space<hbm>>
        %dma_start3A_39 = arith.constant 0 : i32
        %dma_start3A_40 = tpu.memref_slice %arg4[%add3A_16, %dma_start3A_39] : memref<2560x128xi32, #tpu.memory_space<hbm>> -> memref<40x128xi32, #tpu.memory_space<hbm>>
        tpu.enqueue_dma source(%dma_start3A_40 : memref<40x128xi32, #tpu.memory_space<hbm>>) target(%arg9 : memref<40x128xi32, #tpu.memory_space<vmem>>) target_semaphore(%run_scoped3A : memref<!tpu.dma_semaphore, #tpu.memory_space<semaphore_mem>>)
        %dma_wait3A_41 = arith.constant 0 : i32
        %dma_wait3A_42 = tpu.memref_slice %arg4[%add3A_16, %dma_wait3A_41] : memref<2560x128xi32, #tpu.memory_space<hbm>> -> memref<40x128xi32, #tpu.memory_space<hbm>>
        %dma_wait3A_43 = arith.constant 0 : i32
        %dma_wait3A_44 = tpu.memref_slice %arg4[%add3A_16, %dma_wait3A_43] : memref<2560x128xi32, #tpu.memory_space<hbm>> -> memref<40x128xi32, #tpu.memory_space<hbm>>
        tpu.wait_dma2 semaphore(%run_scoped3A : memref<!tpu.dma_semaphore, #tpu.memory_space<semaphore_mem>>) src(%dma_wait3A_44 : memref<40x128xi32, #tpu.memory_space<hbm>>) dst(%arg9 : memref<40x128xi32, #tpu.memory_space<vmem>>)
        tpu.yield
      }) : () -> ()
      %dma_start3A = arith.constant 0 : i32
      %dma_start3A_17 = arith.constant 0 : i32
      %dma_start3A_18 = tpu.memref_slice %arg8[%dma_start3A, %dma_start3A_17] : memref<40x128xi32, #tpu.memory_space<vmem>> -> memref<1x128xi32, #tpu.memory_space<vmem>>
      %dma_start3A_19 = tpu.memref_squeeze %dma_start3A_18 : memref<1x128xi32, #tpu.memory_space<vmem>> -> memref<128xi32, #tpu.memory_space<vmem>>
      %dma_start3A_20 = arith.constant 0 : i32
      %dma_start3A_21 = arith.constant 0 : i32
      %dma_start3A_22 = tpu.memref_slice %arg2[%dma_start3A_20, %dma_start3A_21] : memref<10240x128xf32, #tpu.memory_space<hbm>> -> memref<10240x128xf32, #tpu.memory_space<hbm>>
      tpu.enqueue_indirect_dma source(%dma_start3A_22 : memref<10240x128xf32, #tpu.memory_space<hbm>>) target(%arg10 : memref<128x128xf32, #tpu.memory_space<vmem>>) offsets(%dma_start3A_19 : memref<128xi32, #tpu.memory_space<vmem>>) semaphore(%arg12 : memref<!tpu.dma_semaphore, #tpu.memory_space<semaphore_mem>>)
      %scan3A_23 = arith.constant 0 : i32
      %scan3A_24 = arith.constant 0 : i32
      %scan3A_25 = arith.constant 20 : i32
      %scan3A_26 = arith.addi %scan3A_24, %scan3A_25 : i32
      %scan3A_27 = arith.constant 1 : i32
      %scan3A_28 = scf.for %scan3A_37 = %scan3A_24 to %scan3A_26 step %scan3A_27 iter_args(%scan3A_38 = %scan3A_23) -> (i32)  : i32 {
        %mul3A_39 = arith.constant 2 : i32
        %mul3A_40 = arith.muli %mul3A_39, %scan3A_37 : i32
        %add3A_41 = arith.constant 1 : i32
        %add3A_42 = arith.addi %mul3A_40, %add3A_41 : i32
        %dma_wait3A_43 = arith.constant 0 : i32
        %dma_wait3A_44 = tpu.memref_slice %arg8[%mul3A_40, %dma_wait3A_43] : memref<40x128xi32, #tpu.memory_space<vmem>> -> memref<1x128xi32, #tpu.memory_space<vmem>>
        %dma_wait3A_45 = tpu.memref_squeeze %dma_wait3A_44 : memref<1x128xi32, #tpu.memory_space<vmem>> -> memref<128xi32, #tpu.memory_space<vmem>>
        %dma_wait3A_46 = arith.constant 0 : i32
        %dma_wait3A_47 = arith.constant 0 : i32
        %dma_wait3A_48 = tpu.memref_slice %arg2[%dma_wait3A_46, %dma_wait3A_47] : memref<10240x128xf32, #tpu.memory_space<hbm>> -> memref<10240x128xf32, #tpu.memory_space<hbm>>
        tpu.wait_indirect_dma semaphore(%arg12 : memref<!tpu.dma_semaphore, #tpu.memory_space<semaphore_mem>>) src(%dma_wait3A_48 : memref<10240x128xf32, #tpu.memory_space<hbm>>) dst(%arg10 : memref<128x128xf32, #tpu.memory_space<vmem>>)
        %gt3A = arith.constant 0 : i32
        %gt3A_49 = arith.cmpi sgt, %scan3A_37, %gt3A : i32
        %convert_element_type3A = arith.extui %gt3A_49 : i1 to i32
        %cond3A = arith.constant 0 : i32
        %cond3A_50 = arith.cmpi ne, %convert_element_type3A, %cond3A : i32
        scf.if %cond3A_50 {
          %dma_wait3A_86 = arith.constant 0 : i32
          %dma_wait3A_87 = tpu.memref_slice %arg9[%add3A_42, %dma_wait3A_86] : memref<40x128xi32, #tpu.memory_space<vmem>> -> memref<1x128xi32, #tpu.memory_space<vmem>>
          %dma_wait3A_88 = tpu.memref_squeeze %dma_wait3A_87 : memref<1x128xi32, #tpu.memory_space<vmem>> -> memref<128xi32, #tpu.memory_space<vmem>>
          %dma_wait3A_89 = arith.constant 0 : i32
          %dma_wait3A_90 = arith.constant 0 : i32
          %dma_wait3A_91 = tpu.memref_slice %arg7[%dma_wait3A_89, %dma_wait3A_90] : memref<10240x128xf32, #tpu.memory_space<vmem_shared>> -> memref<10240x128xf32, #tpu.memory_space<vmem_shared>>
          tpu.wait_indirect_dma semaphore(%arg15 : memref<!tpu.dma_semaphore, #tpu.memory_space<semaphore_mem>>) src(%arg11 : memref<128x128xf32, #tpu.memory_space<vmem>>) dst(%dma_wait3A_91 : memref<10240x128xf32, #tpu.memory_space<vmem_shared>>)
        } else {
        }
        %dma_start3A_51 = arith.constant 0 : i32
        %dma_start3A_52 = tpu.memref_slice %arg8[%add3A_42, %dma_start3A_51] : memref<40x128xi32, #tpu.memory_space<vmem>> -> memref<1x128xi32, #tpu.memory_space<vmem>>
        %dma_start3A_53 = tpu.memref_squeeze %dma_start3A_52 : memref<1x128xi32, #tpu.memory_space<vmem>> -> memref<128xi32, #tpu.memory_space<vmem>>
        %dma_start3A_54 = arith.constant 0 : i32
        %dma_start3A_55 = arith.constant 0 : i32
        %dma_start3A_56 = tpu.memref_slice %arg2[%dma_start3A_54, %dma_start3A_55] : memref<10240x128xf32, #tpu.memory_space<hbm>> -> memref<10240x128xf32, #tpu.memory_space<hbm>>
        tpu.enqueue_indirect_dma source(%dma_start3A_56 : memref<10240x128xf32, #tpu.memory_space<hbm>>) target(%arg11 : memref<128x128xf32, #tpu.memory_space<vmem>>) offsets(%dma_start3A_53 : memref<128xi32, #tpu.memory_space<vmem>>) semaphore(%arg13 : memref<!tpu.dma_semaphore, #tpu.memory_space<semaphore_mem>>)
        %dma_start3A_57 = arith.constant 0 : i32
        %dma_start3A_58 = tpu.memref_slice %arg9[%mul3A_40, %dma_start3A_57] : memref<40x128xi32, #tpu.memory_space<vmem>> -> memref<1x128xi32, #tpu.memory_space<vmem>>
        %dma_start3A_59 = tpu.memref_squeeze %dma_start3A_58 : memref<1x128xi32, #tpu.memory_space<vmem>> -> memref<128xi32, #tpu.memory_space<vmem>>
        %dma_start3A_60 = arith.constant 0 : i32
        %dma_start3A_61 = arith.constant 0 : i32
        %dma_start3A_62 = tpu.memref_slice %arg7[%dma_start3A_60, %dma_start3A_61] : memref<10240x128xf32, #tpu.memory_space<vmem_shared>> -> memref<10240x128xf32, #tpu.memory_space<vmem_shared>>
        tpu.enqueue_indirect_dma source(%arg10 : memref<128x128xf32, #tpu.memory_space<vmem>>) target(%dma_start3A_62 : memref<10240x128xf32, #tpu.memory_space<vmem_shared>>) offsets(%dma_start3A_59 : memref<128xi32, #tpu.memory_space<vmem>>) semaphore(%arg14 : memref<!tpu.dma_semaphore, #tpu.memory_space<semaphore_mem>>) {add = true}
        %dma_wait3A_63 = arith.constant 0 : i32
        %dma_wait3A_64 = tpu.memref_slice %arg8[%add3A_42, %dma_wait3A_63] : memref<40x128xi32, #tpu.memory_space<vmem>> -> memref<1x128xi32, #tpu.memory_space<vmem>>
        %dma_wait3A_65 = tpu.memref_squeeze %dma_wait3A_64 : memref<1x128xi32, #tpu.memory_space<vmem>> -> memref<128xi32, #tpu.memory_space<vmem>>
        %dma_wait3A_66 = arith.constant 0 : i32
        %dma_wait3A_67 = arith.constant 0 : i32
        %dma_wait3A_68 = tpu.memref_slice %arg2[%dma_wait3A_66, %dma_wait3A_67] : memref<10240x128xf32, #tpu.memory_space<hbm>> -> memref<10240x128xf32, #tpu.memory_space<hbm>>
        tpu.wait_indirect_dma semaphore(%arg13 : memref<!tpu.dma_semaphore, #tpu.memory_space<semaphore_mem>>) src(%dma_wait3A_68 : memref<10240x128xf32, #tpu.memory_space<hbm>>) dst(%arg11 : memref<128x128xf32, #tpu.memory_space<vmem>>)
        %dma_wait3A_69 = arith.constant 0 : i32
        %dma_wait3A_70 = tpu.memref_slice %arg9[%mul3A_40, %dma_wait3A_69] : memref<40x128xi32, #tpu.memory_space<vmem>> -> memref<1x128xi32, #tpu.memory_space<vmem>>
        %dma_wait3A_71 = tpu.memref_squeeze %dma_wait3A_70 : memref<1x128xi32, #tpu.memory_space<vmem>> -> memref<128xi32, #tpu.memory_space<vmem>>
        %dma_wait3A_72 = arith.constant 0 : i32
        %dma_wait3A_73 = arith.constant 0 : i32
        %dma_wait3A_74 = tpu.memref_slice %arg7[%dma_wait3A_72, %dma_wait3A_73] : memref<10240x128xf32, #tpu.memory_space<vmem_shared>> -> memref<10240x128xf32, #tpu.memory_space<vmem_shared>>
        tpu.wait_indirect_dma semaphore(%arg14 : memref<!tpu.dma_semaphore, #tpu.memory_space<semaphore_mem>>) src(%arg10 : memref<128x128xf32, #tpu.memory_space<vmem>>) dst(%dma_wait3A_74 : memref<10240x128xf32, #tpu.memory_space<vmem_shared>>)
        %lt3A = arith.constant 19 : i32
        %lt3A_75 = arith.cmpi slt, %scan3A_37, %lt3A : i32
        %convert_element_type3A_76 = arith.extui %lt3A_75 : i1 to i32
        %cond3A_77 = arith.constant 0 : i32
        %cond3A_78 = arith.cmpi ne, %convert_element_type3A_76, %cond3A_77 : i32
        scf.if %cond3A_78 {
          %add3A_86 = arith.constant 1 : i32
          %add3A_87 = arith.addi %add3A_42, %add3A_86 : i32
          %dma_start3A_88 = arith.constant 0 : i32
          %dma_start3A_89 = tpu.memref_slice %arg8[%add3A_87, %dma_start3A_88] : memref<40x128xi32, #tpu.memory_space<vmem>> -> memref<1x128xi32, #tpu.memory_space<vmem>>
          %dma_start3A_90 = tpu.memref_squeeze %dma_start3A_89 : memref<1x128xi32, #tpu.memory_space<vmem>> -> memref<128xi32, #tpu.memory_space<vmem>>
          %dma_start3A_91 = arith.constant 0 : i32
          %dma_start3A_92 = arith.constant 0 : i32
          %dma_start3A_93 = tpu.memref_slice %arg2[%dma_start3A_91, %dma_start3A_92] : memref<10240x128xf32, #tpu.memory_space<hbm>> -> memref<10240x128xf32, #tpu.memory_space<hbm>>
          tpu.enqueue_indirect_dma source(%dma_start3A_93 : memref<10240x128xf32, #tpu.memory_space<hbm>>) target(%arg10 : memref<128x128xf32, #tpu.memory_space<vmem>>) offsets(%dma_start3A_90 : memref<128xi32, #tpu.memory_space<vmem>>) semaphore(%arg12 : memref<!tpu.dma_semaphore, #tpu.memory_space<semaphore_mem>>)
        } else {
        }
        %dma_start3A_79 = arith.constant 0 : i32
        %dma_start3A_80 = tpu.memref_slice %arg9[%add3A_42, %dma_start3A_79] : memref<40x128xi32, #tpu.memory_space<vmem>> -> memref<1x128xi32, #tpu.memory_space<vmem>>
        %dma_start3A_81 = tpu.memref_squeeze %dma_start3A_80 : memref<1x128xi32, #tpu.memory_space<vmem>> -> memref<128xi32, #tpu.memory_space<vmem>>
        %dma_start3A_82 = arith.constant 0 : i32
        %dma_start3A_83 = arith.constant 0 : i32
        %dma_start3A_84 = tpu.memref_slice %arg7[%dma_start3A_82, %dma_start3A_83] : memref<10240x128xf32, #tpu.memory_space<vmem_shared>> -> memref<10240x128xf32, #tpu.memory_space<vmem_shared>>
        tpu.enqueue_indirect_dma source(%arg11 : memref<128x128xf32, #tpu.memory_space<vmem>>) target(%dma_start3A_84 : memref<10240x128xf32, #tpu.memory_space<vmem_shared>>) offsets(%dma_start3A_81 : memref<128xi32, #tpu.memory_space<vmem>>) semaphore(%arg15 : memref<!tpu.dma_semaphore, #tpu.memory_space<semaphore_mem>>) {add = true}
        %scan3A_85 = arith.constant 0 : i32
        scf.yield %scan3A_85 : i32
      }
      %scan3A_29 = arith.constant 20 : i32
      %dma_wait3A = arith.constant 39 : i32
      %dma_wait3A_30 = arith.constant 0 : i32
      %dma_wait3A_31 = tpu.memref_slice %arg9[%dma_wait3A, %dma_wait3A_30] : memref<40x128xi32, #tpu.memory_space<vmem>> -> memref<1x128xi32, #tpu.memory_space<vmem>>
      %dma_wait3A_32 = tpu.memref_squeeze %dma_wait3A_31 : memref<1x128xi32, #tpu.memory_space<vmem>> -> memref<128xi32, #tpu.memory_space<vmem>>
      %dma_wait3A_33 = arith.constant 0 : i32
      %dma_wait3A_34 = arith.constant 0 : i32
      %dma_wait3A_35 = tpu.memref_slice %arg7[%dma_wait3A_33, %dma_wait3A_34] : memref<10240x128xf32, #tpu.memory_space<vmem_shared>> -> memref<10240x128xf32, #tpu.memory_space<vmem_shared>>
      tpu.wait_indirect_dma semaphore(%arg15 : memref<!tpu.dma_semaphore, #tpu.memory_space<semaphore_mem>>) src(%arg11 : memref<128x128xf32, #tpu.memory_space<vmem>>) dst(%dma_wait3A_35 : memref<10240x128xf32, #tpu.memory_space<vmem_shared>>)
      %scan3A_36 = arith.constant 0 : i32
      scf.yield %scan3A_36 : i32
    }
    %scan3A_10 = arith.constant 2 : i32
    %barrier3A_11 = arith.constant 0 : index
    tpu.barrier barrier_id(%barrier3A_11)
    "tpu.region"() ({
      %run_scoped3A = tpu.sem_alloc : memref<!tpu.dma_semaphore, #tpu.memory_space<semaphore_mem>>
      %dma_start3A = arith.constant 0 : i32
      %dma_start3A_12 = arith.constant 0 : i32
      %dma_start3A_13 = tpu.memref_slice %arg6[%arg0, %arg1, %dma_start3A, %dma_start3A_12] : memref<2x16x640x128xf32, #tpu.memory_space<hbm>> -> memref<1x1x640x128xf32, #tpu.memory_space<hbm>>
      %dma_start3A_14 = tpu.memref_squeeze %dma_start3A_13 : memref<1x1x640x128xf32, #tpu.memory_space<hbm>> -> memref<640x128xf32, #tpu.memory_space<hbm>>
      %dma_start3A_15 = arith.constant 0 : i32
      %dma_start3A_16 = tpu.memref_slice %arg7[%mul3A_2, %dma_start3A_15] : memref<10240x128xf32, #tpu.memory_space<vmem_shared>> -> memref<640x128xf32, #tpu.memory_space<vmem_shared>>
      tpu.enqueue_dma source(%dma_start3A_16 : memref<640x128xf32, #tpu.memory_space<vmem_shared>>) target(%dma_start3A_14 : memref<640x128xf32, #tpu.memory_space<hbm>>) target_semaphore(%run_scoped3A : memref<!tpu.dma_semaphore, #tpu.memory_space<semaphore_mem>>)
      %dma_wait3A = arith.constant 0 : i32
      %dma_wait3A_17 = arith.constant 0 : i32
      %dma_wait3A_18 = tpu.memref_slice %arg6[%arg0, %arg1, %dma_wait3A, %dma_wait3A_17] : memref<2x16x640x128xf32, #tpu.memory_space<hbm>> -> memref<1x1x640x128xf32, #tpu.memory_space<hbm>>
      %dma_wait3A_19 = tpu.memref_squeeze %dma_wait3A_18 : memref<1x1x640x128xf32, #tpu.memory_space<hbm>> -> memref<640x128xf32, #tpu.memory_space<hbm>>
      %dma_wait3A_20 = arith.constant 0 : i32
      %dma_wait3A_21 = tpu.memref_slice %arg7[%mul3A_2, %dma_wait3A_20] : memref<10240x128xf32, #tpu.memory_space<vmem_shared>> -> memref<640x128xf32, #tpu.memory_space<vmem_shared>>
      tpu.wait_dma2 semaphore(%run_scoped3A : memref<!tpu.dma_semaphore, #tpu.memory_space<semaphore_mem>>) src(%dma_wait3A_21 : memref<640x128xf32, #tpu.memory_space<vmem_shared>>) dst(%dma_wait3A_19 : memref<640x128xf32, #tpu.memory_space<hbm>>)
      tpu.yield
    }) : () -> ()
    return
  }
}

module attributes {stable_mosaic.version = 14 : i64} {
  func.func @_tc_scale_matmul(%arg0: i32, %arg1: memref<1024x128xf32, #tpu.memory_space<vmem>>, %arg2: memref<128x128xf32, #tpu.memory_space<vmem>>, %arg3: memref<2x1024x1xf32, #tpu.memory_space<vmem>>, %arg4: memref<1024x128xf32, #tpu.memory_space<vmem>>) attributes {dimension_semantics = [#tpu.dimension_semantics<arbitrary>], iteration_bounds = array<i64: 10>, scalar_prefetch = 0 : i64, scratch_operands = 0 : i64, tpu.core_type = #tpu.core_type<tc>, window_params = [{transform_indices = @transform_0, window_bounds = array<i64: 1024, 128>}, {pipeline_mode = #tpu.pipeline_mode<synchronous>, transform_indices = @transform_1, window_bounds = array<i64: 128, 128>}, {transform_indices = @transform_2, window_bounds = array<i64: 2, 1024, 1>}, {transform_indices = @transform_3, window_bounds = array<i64: 1024, 128>}]} {
    %get3A = arith.constant 0 : index
    %get3A_0 = arith.constant 0 : index
    %get3A_1 = arith.constant 0 : index
    %get3A_2 = vector.load %arg3[%get3A, %get3A_0, %get3A_1] : memref<2x1024x1xf32, #tpu.memory_space<vmem>>, vector<2x1024x1xf32>
    %slice3A = vector.extract_strided_slice %get3A_2 {offsets = [0, 0, 0], sizes = [1, 1024, 1], strides = [1, 1, 1]} : vector<2x1024x1xf32> to vector<1x1024x1xf32>
    %squeeze3A = vector.shape_cast %slice3A : vector<1x1024x1xf32> to vector<1024x1xf32>
    %slice3A_3 = vector.extract_strided_slice %get3A_2 {offsets = [1, 0, 0], sizes = [1, 1024, 1], strides = [1, 1, 1]} : vector<2x1024x1xf32> to vector<1x1024x1xf32>
    %squeeze3A_4 = vector.shape_cast %slice3A_3 : vector<1x1024x1xf32> to vector<1024x1xf32>
    %add3A = arith.addf %squeeze3A, %squeeze3A_4 : vector<1024x1xf32>
    %add3A_5 = arith.constant 1.000000e+00 : f32
    %add3A_6 = vector.broadcast %add3A_5 : f32 to vector<1024x1xf32>
    %add3A_7 = arith.addf %add3A, %add3A_6 : vector<1024x1xf32>
    %rsqrt3A = math.rsqrt %add3A_7 : vector<1024x1xf32>
    %get3A_8 = arith.constant 0 : index
    %get3A_9 = arith.constant 0 : index
    %get3A_10 = vector.load %arg1[%get3A_8, %get3A_9] : memref<1024x128xf32, #tpu.memory_space<vmem>>, vector<1024x128xf32>
    %get3A_11 = arith.constant 0 : index
    %get3A_12 = arith.constant 0 : index
    %get3A_13 = vector.load %arg2[%get3A_11, %get3A_12] : memref<128x128xf32, #tpu.memory_space<vmem>>, vector<128x128xf32>
    %dot_general3A = arith.constant dense<0.000000e+00> : vector<1024x128xf32>
    %dot_general3A_14 = tpu.matmul %get3A_10, %get3A_13, %dot_general3A {dimension_numbers = #tpu.dot_dimension_numbers<[1], [0], [0], [1], [0, 0, 1, 1], [], []>, transpose_lhs_hint = false} : vector<1024x128xf32>, vector<128x128xf32>, vector<1024x128xf32> -> vector<1024x128xf32>
    %mul3A = vector.broadcast %rsqrt3A : vector<1024x1xf32> to vector<1024x128xf32>
    %mul3A_15 = arith.mulf %dot_general3A_14, %mul3A : vector<1024x128xf32>
    %swap3A = arith.constant 0 : index
    %swap3A_16 = arith.constant 0 : index
    %swap3A_17 = vector.load %arg4[%swap3A, %swap3A_16] : memref<1024x128xf32, #tpu.memory_space<vmem>>, vector<1024x128xf32>
    tpu.vector_store %arg4[%swap3A, %swap3A_16], %mul3A_15 {strides = array<i32>} : memref<1024x128xf32, #tpu.memory_space<vmem>>, vector<1024x128xf32>,
    return
  }
  func.func @transform_0(%arg0: i32) -> (i32, i32) {
    %c0_i32 = arith.constant 0 : i32
    %c0_i32_0 = arith.constant 0 : i32
    return %arg0, %c0_i32 : i32, i32
  }
  func.func @transform_1(%arg0: i32) -> (i32, i32) {
    %c0_i32 = arith.constant 0 : i32
    %c0_i32_0 = arith.constant 0 : i32
    %c0_i32_1 = arith.constant 0 : i32
    return %c0_i32, %c0_i32_0 : i32, i32
  }
  func.func @transform_2(%arg0: i32) -> (i32, i32, i32) {
    %c0_i32 = arith.constant 0 : i32
    %c0_i32_0 = arith.constant 0 : i32
    %c0_i32_1 = arith.constant 0 : i32
    return %c0_i32, %arg0, %c0_i32_0 : i32, i32, i32
  }
  func.func @transform_3(%arg0: i32) -> (i32, i32) {
    %c0_i32 = arith.constant 0 : i32
    %c0_i32_0 = arith.constant 0 : i32
    return %arg0, %c0_i32 : i32, i32
  }
}

module attributes {stable_mosaic.version = 14 : i64} {
  func.func @_tc_mid(%arg0: i32, %arg1: memref<2x1024x128xf32, #tpu.memory_space<vmem>>, %arg2: memref<1024x128xf32, #tpu.memory_space<vmem>>, %arg3: memref<2x1024x1xf32, #tpu.memory_space<vmem>>, %arg4: memref<128x1xf32, #tpu.memory_space<vmem>>, %arg5: memref<1x128xf32, #tpu.memory_space<vmem>>, %arg6: memref<1024x1xf32, #tpu.memory_space<vmem>>) attributes {dimension_semantics = [#tpu.dimension_semantics<arbitrary>], iteration_bounds = array<i64: 10>, scalar_prefetch = 0 : i64, scratch_operands = 0 : i64, tpu.core_type = #tpu.core_type<tc>, window_params = [{transform_indices = @transform_0, window_bounds = array<i64: 2, 1024, 128>}, {transform_indices = @transform_1, window_bounds = array<i64: 1024, 128>}, {transform_indices = @transform_2, window_bounds = array<i64: 2, 1024, 1>}, {pipeline_mode = #tpu.pipeline_mode<synchronous>, transform_indices = @transform_3, window_bounds = array<i64: 128, 1>}, {pipeline_mode = #tpu.pipeline_mode<synchronous>, transform_indices = @transform_4, window_bounds = array<i64: 1, 128>}, {transform_indices = @transform_5, window_bounds = array<i64: 1024, 1>}]} {
    %get3A = arith.constant 0 : index
    %get3A_0 = arith.constant 0 : index
    %get3A_1 = arith.constant 0 : index
    %get3A_2 = vector.load %arg3[%get3A, %get3A_0, %get3A_1] : memref<2x1024x1xf32, #tpu.memory_space<vmem>>, vector<2x1024x1xf32>
    %slice3A = vector.extract_strided_slice %get3A_2 {offsets = [0, 0, 0], sizes = [1, 1024, 1], strides = [1, 1, 1]} : vector<2x1024x1xf32> to vector<1x1024x1xf32>
    %squeeze3A = vector.shape_cast %slice3A : vector<1x1024x1xf32> to vector<1024x1xf32>
    %slice3A_3 = vector.extract_strided_slice %get3A_2 {offsets = [1, 0, 0], sizes = [1, 1024, 1], strides = [1, 1, 1]} : vector<2x1024x1xf32> to vector<1x1024x1xf32>
    %squeeze3A_4 = vector.shape_cast %slice3A_3 : vector<1x1024x1xf32> to vector<1024x1xf32>
    %add3A = arith.addf %squeeze3A, %squeeze3A_4 : vector<1024x1xf32>
    %add3A_5 = arith.constant 1.000000e+00 : f32
    %add3A_6 = vector.broadcast %add3A_5 : f32 to vector<1024x1xf32>
    %add3A_7 = arith.addf %add3A, %add3A_6 : vector<1024x1xf32>
    %rsqrt3A = math.rsqrt %add3A_7 : vector<1024x1xf32>
    %get3A_8 = arith.constant 0 : index
    %get3A_9 = arith.constant 0 : index
    %get3A_10 = arith.constant 0 : index
    %get3A_11 = vector.load %arg1[%get3A_8, %get3A_9, %get3A_10] : memref<2x1024x128xf32, #tpu.memory_space<vmem>>, vector<2x1024x128xf32>
    %slice3A_12 = vector.extract_strided_slice %get3A_11 {offsets = [0, 0, 0], sizes = [1, 1024, 128], strides = [1, 1, 1]} : vector<2x1024x128xf32> to vector<1x1024x128xf32>
    %squeeze3A_13 = vector.shape_cast %slice3A_12 : vector<1x1024x128xf32> to vector<1024x128xf32>
    %slice3A_14 = vector.extract_strided_slice %get3A_11 {offsets = [1, 0, 0], sizes = [1, 1024, 128], strides = [1, 1, 1]} : vector<2x1024x128xf32> to vector<1x1024x128xf32>
    %squeeze3A_15 = vector.shape_cast %slice3A_14 : vector<1x1024x128xf32> to vector<1024x128xf32>
    %add3A_16 = arith.addf %squeeze3A_13, %squeeze3A_15 : vector<1024x128xf32>
    %get3A_17 = arith.constant 0 : index
    %get3A_18 = arith.constant 0 : index
    %get3A_19 = vector.load %arg2[%get3A_17, %get3A_18] : memref<1024x128xf32, #tpu.memory_space<vmem>>, vector<1024x128xf32>
    %add3A_20 = arith.addf %add3A_16, %get3A_19 : vector<1024x128xf32>
    %mul3A = vector.broadcast %rsqrt3A : vector<1024x1xf32> to vector<1024x128xf32>
    %mul3A_21 = arith.mulf %mul3A, %add3A_20 : vector<1024x128xf32>
    %get3A_22 = arith.constant 0 : index
    %get3A_23 = arith.constant 0 : index
    %get3A_24 = vector.load %arg5[%get3A_22, %get3A_23] : memref<1x128xf32, #tpu.memory_space<vmem>>, vector<1x128xf32>
    %add3A_25 = vector.broadcast %get3A_24 : vector<1x128xf32> to vector<1024x128xf32>
    %add3A_26 = arith.addf %mul3A_21, %add3A_25 : vector<1024x128xf32>
    %max3A = arith.constant 0.000000e+00 : f32
    %max3A_27 = vector.broadcast %max3A : f32 to vector<1024x128xf32>
    %max3A_28 = arith.maximumf %add3A_26, %max3A_27 : vector<1024x128xf32>
    %get3A_29 = arith.constant 0 : index
    %get3A_30 = arith.constant 0 : index
    %get3A_31 = vector.load %arg4[%get3A_29, %get3A_30] : memref<128x1xf32, #tpu.memory_space<vmem>>, vector<128x1xf32>
    %dot_general3A = arith.constant dense<0.000000e+00> : vector<1024x1xf32>
    %dot_general3A_32 = tpu.matmul %max3A_28, %get3A_31, %dot_general3A {dimension_numbers = #tpu.dot_dimension_numbers<[1], [0], [0], [1], [0, 0, 1, 1], [], []>, transpose_lhs_hint = false} : vector<1024x128xf32>, vector<128x1xf32>, vector<1024x1xf32> -> vector<1024x1xf32>
    %mul3A_33 = arith.mulf %dot_general3A_32, %rsqrt3A : vector<1024x1xf32>
    %swap3A = arith.constant 0 : index
    %swap3A_34 = arith.constant 0 : index
    %swap3A_35 = vector.load %arg6[%swap3A, %swap3A_34] : memref<1024x1xf32, #tpu.memory_space<vmem>>, vector<1024x1xf32>
    tpu.vector_store %arg6[%swap3A, %swap3A_34], %mul3A_33 {strides = array<i32>} : memref<1024x1xf32, #tpu.memory_space<vmem>>, vector<1024x1xf32>,
    return
  }
  func.func @transform_0(%arg0: i32) -> (i32, i32, i32) {
    %c0_i32 = arith.constant 0 : i32
    %c0_i32_0 = arith.constant 0 : i32
    %c0_i32_1 = arith.constant 0 : i32
    return %c0_i32, %arg0, %c0_i32_0 : i32, i32, i32
  }
  func.func @transform_1(%arg0: i32) -> (i32, i32) {
    %c0_i32 = arith.constant 0 : i32
    %c0_i32_0 = arith.constant 0 : i32
    return %arg0, %c0_i32 : i32, i32
  }
  func.func @transform_2(%arg0: i32) -> (i32, i32, i32) {
    %c0_i32 = arith.constant 0 : i32
    %c0_i32_0 = arith.constant 0 : i32
    %c0_i32_1 = arith.constant 0 : i32
    return %c0_i32, %arg0, %c0_i32_0 : i32, i32, i32
  }
  func.func @transform_3(%arg0: i32) -> (i32, i32) {
    %c0_i32 = arith.constant 0 : i32
    %c0_i32_0 = arith.constant 0 : i32
    %c0_i32_1 = arith.constant 0 : i32
    return %c0_i32, %c0_i32_0 : i32, i32
  }
  func.func @transform_4(%arg0: i32) -> (i32, i32) {
    %c0_i32 = arith.constant 0 : i32
    %c0_i32_0 = arith.constant 0 : i32
    %c0_i32_1 = arith.constant 0 : i32
    return %c0_i32, %c0_i32_0 : i32, i32
  }
  func.func @transform_5(%arg0: i32) -> (i32, i32) {
    %c0_i32 = arith.constant 0 : i32
    %c0_i32_0 = arith.constant 0 : i32
    return %arg0, %c0_i32 : i32, i32
  }
}

module attributes {stable_mosaic.version = 14 : i64} {
  func.func @_tc_final80(%arg0: memref<2x80x128xf32, #tpu.memory_space<vmem>>, %arg1: memref<80x128xf32, #tpu.memory_space<vmem>>, %arg2: memref<2x80x128xf32, #tpu.memory_space<vmem>>, %arg3: memref<1x1xf32, #tpu.memory_space<vmem>>, %arg4: memref<80x128xf32, #tpu.memory_space<vmem>>) attributes {dimension_semantics = [], scalar_prefetch = 0 : i64, scratch_operands = 0 : i64, tpu.core_type = #tpu.core_type<tc>} {
    %get3A = arith.constant 0 : index
    %get3A_0 = arith.constant 0 : index
    %get3A_1 = arith.constant 0 : index
    %get3A_2 = vector.load %arg2[%get3A, %get3A_0, %get3A_1] : memref<2x80x128xf32, #tpu.memory_space<vmem>>, vector<2x80x128xf32>
    %slice3A = vector.extract_strided_slice %get3A_2 {offsets = [0, 0, 0], sizes = [1, 80, 128], strides = [1, 1, 1]} : vector<2x80x128xf32> to vector<1x80x128xf32>
    %squeeze3A = vector.shape_cast %slice3A : vector<1x80x128xf32> to vector<80x128xf32>
    %slice3A_3 = vector.extract_strided_slice %get3A_2 {offsets = [1, 0, 0], sizes = [1, 80, 128], strides = [1, 1, 1]} : vector<2x80x128xf32> to vector<1x80x128xf32>
    %squeeze3A_4 = vector.shape_cast %slice3A_3 : vector<1x80x128xf32> to vector<80x128xf32>
    %add3A = arith.addf %squeeze3A, %squeeze3A_4 : vector<80x128xf32>
    %add3A_5 = arith.constant 1.000000e+00 : f32
    %add3A_6 = vector.broadcast %add3A_5 : f32 to vector<80x128xf32>
    %add3A_7 = arith.addf %add3A, %add3A_6 : vector<80x128xf32>
    %rsqrt3A = math.rsqrt %add3A_7 : vector<80x128xf32>
    %get3A_8 = arith.constant 0 : index
    %get3A_9 = arith.constant 0 : index
    %get3A_10 = arith.constant 0 : index
    %get3A_11 = vector.load %arg0[%get3A_8, %get3A_9, %get3A_10] : memref<2x80x128xf32, #tpu.memory_space<vmem>>, vector<2x80x128xf32>
    %slice3A_12 = vector.extract_strided_slice %get3A_11 {offsets = [0, 0, 0], sizes = [1, 80, 128], strides = [1, 1, 1]} : vector<2x80x128xf32> to vector<1x80x128xf32>
    %squeeze3A_13 = vector.shape_cast %slice3A_12 : vector<1x80x128xf32> to vector<80x128xf32>
    %slice3A_14 = vector.extract_strided_slice %get3A_11 {offsets = [1, 0, 0], sizes = [1, 80, 128], strides = [1, 1, 1]} : vector<2x80x128xf32> to vector<1x80x128xf32>
    %squeeze3A_15 = vector.shape_cast %slice3A_14 : vector<1x80x128xf32> to vector<80x128xf32>
    %add3A_16 = arith.addf %squeeze3A_13, %squeeze3A_15 : vector<80x128xf32>
    %get3A_17 = arith.constant 0 : index
    %get3A_18 = arith.constant 0 : index
    %get3A_19 = vector.load %arg1[%get3A_17, %get3A_18] : memref<80x128xf32, #tpu.memory_space<vmem>>, vector<80x128xf32>
    %add3A_20 = arith.addf %add3A_16, %get3A_19 : vector<80x128xf32>
    %mul3A = arith.mulf %rsqrt3A, %add3A_20 : vector<80x128xf32>
    %get3A_21 = arith.constant 0 : index
    %get3A_22 = arith.constant 0 : index
    %get3A_23 = vector.load %arg3[%get3A_21, %get3A_22] : memref<1x1xf32, #tpu.memory_space<vmem>>, vector<1x1xf32>
    %add3A_24 = vector.broadcast %get3A_23 : vector<1x1xf32> to vector<80x128xf32>
    %add3A_25 = arith.addf %mul3A, %add3A_24 : vector<80x128xf32>
    %logistic3A = arith.negf %add3A_25 : vector<80x128xf32>
    %logistic3A_26 = math.exp %logistic3A : vector<80x128xf32>
    %logistic3A_27 = arith.constant 1.000000e+00 : f32
    %logistic3A_28 = vector.broadcast %logistic3A_27 : f32 to vector<80x128xf32>
    %logistic3A_29 = arith.addf %logistic3A_28, %logistic3A_26 : vector<80x128xf32>
    %logistic3A_30 = arith.divf %logistic3A_28, %logistic3A_29 : vector<80x128xf32>
    %swap3A = arith.constant 0 : index
    %swap3A_31 = arith.constant 0 : index
    %swap3A_32 = vector.load %arg4[%swap3A, %swap3A_31] : memref<80x128xf32, #tpu.memory_space<vmem>>, vector<80x128xf32>
    tpu.vector_store %arg4[%swap3A, %swap3A_31], %logistic3A_30 {strides = array<i32>} : memref<80x128xf32, #tpu.memory_space<vmem>>, vector<80x128xf32>,
    return
  }
}

</mosaic_0001>

<sc_bundles>
// kernel: kernel.11.cloned.1.call-start
scs
__scs_entry_jumppad:
0x0: {  	(pc) =	sbr.rel $0x88, $3  }
0x1: {  	(tag) =	ssettag $0x0;
	lr =	simm.s32 $0x1  }
0x2: {  	[smem:$0x3F9B] =	sst lr;
	_ =	strace $0xD0000000  }
0x3: {  	_ = 	snop  }
0x4: {  	_ = 	snop  }
0x5: {  	_ = 	snop  }
0x6: {  	_ = 	snop  }
0x7: {  	_ = 	snop  }
__scs_overlays_trampoline_lowered:
0x8: {  	[smem:$0x3FAA] =	sst s0  }
0x9: {  	[smem:$0x3FAB] =	sst s1  }
0xa: {  	[smem:$0x3FAC] =	sst s2  }
0xb: {  	[smem:$0x3FAD] =	sst s3  }
0xc: {  	[smem:$0x3FAE] =	sst s4  }
0xd: {  	[smem:$0x3FAF] =	sst s5  }
0xe: {  	[smem:$0x3FB0] =	sst s6  }
0xf: {  	[smem:$0x3FB1] =	sst s7  }
0x10: {  	[smem:$0x3FB2] =	sst s8  }
0x11: {  	[smem:$0x3FB3] =	sst s9;
	s0 =	simm.s32 @!p0 $0x0  }
0x12: {  	s1 =	sld [smem:$0x3F99];
	s0 =	simm.s32 @p0 $0x1  }
0x13: {  	[smem:$0x3FB4] =	sst s0;
	s0 =	simm.s32 @!p1 $0x0  }
0x14: {  	s2 =	sld [smem:$0x3F98];
	s0 =	simm.s32 @p1 $0x1  }
0x15: {  	[smem:$0x3FB5] =	sst s0;
	s0 =	simm.s32 @!p2 $0x0  }
0x16: {  	s3 =	sld [smem:$0x3FDB];
	s0 =	simm.s32 @p2 $0x1  }
0x17: {  	s4 =	simm.s32 $0x1BF5;
	[smem:$0x3FB7] =	sst s0  }
0x18: {  	s0 =	sld [smem:$0x3F9A];
	_ =	swait.ge [sflag:s4], $0x0  }
0x19: {  	s7 =	sld [smem:$0x3F9B]  }
0x1a: {  	s8 =	sadd.s32 $0xFFFFE003, lr  }
0x1b: {  	s9 =	sadd.s32 $0xFFFFFEF7, lr;
	s5 =	simm.s32 $0xFFFFFFFF;
	p2 =	slt.u32 s8, $0xFFFFF086  }
0x1c: {  	p1 =	slt.u32 s9, $0xF7A;
	s5 =	simm.s32 @!p2 $0x0  }
0x1d: {  	s5 =	simm.s32 @p1 $0x1;
	p0 =	seq.s32 s7, s2  }
0x1e: {  	s7 =	smul.u32 @!p0 $0xF7A, s2;
	p2 =	seq.s32 @!p0 s5, $0x0  }
0x1f: {  	s9 =	smul.u32 $0xF7A, s1;
	s8 =	simm.s32 @!p0 $0x1BF5;
	p2 =	por !p2, p0  }
0x20: {  	[sflag:s8] =	ssyncset.s32 @!p0 $0xFFFFF086;
	s6 =	sadd.s32 @!p0 s3, s7;
	s7 =	simm.s32 @!p0 $0x108  }
0x21: {  	s3 =	sadd.s32 s3, s9;
	s6 =	sadd.s32 @!p0 $0x88, s6;
	s7 =	simm.s32 @p2 $0x1082  }
0x22: {  	[simem:s7], [sflag:s8] =	dma.local @!p0 [hbm:s6], $0xF7A  }
0x23: {  	s9 =	sor.u32 $0xD0000000, s2;
	s6 =	simm.s32 $0x108;
	_ =	swait.ge @!p0 [sflag:s8], $0x0  }
0x24: {  	s3 =	sadd.s32 $0x88, s3;
	s6 =	simm.s32 @!p1 $0x1082;
	[sflag:s4] =	ssyncset.s32 $0xFFFFF086  }
0x25: {  	[simem:s6], [sflag:s4] =	dma.local [hbm:s3], $0xF7A  }
0x26: {  	[smem:$0x3F9B] =	sst s1;
	(tag) =	ssettag s2;
	_ =	strace s9  }
0x27: {  	s1 =	sld [smem:$0x3FAB]  }
0x28: {  	s2 =	sld [smem:$0x3FAC]  }
0x29: {  	s4 =	sld [smem:$0x3FAE]  }
0x2a: {  	p0 =	seq.s32 s5, $0x0;
	s5 =	sld [smem:$0x3FAF]  }
0x2b: {  	s6 =	sld [smem:$0x3FB0]  }
0x2c: {  	s7 =	sld [smem:$0x3FB1]  }
0x2d: {  	s3 =	simm.s32 $0x108;
	s8 =	sld [smem:$0x3FB2]  }
0x2e: {  	s3 =	simm.s32 @!p0 $0x1082;
	s9 =	sld [smem:$0x3FB3]  }
0x2f: {  	lr =	sadd.s32 s0, s3;
	s0 =	sld [smem:$0x3FAA]  }
0x30: {  	s3 =	sld [smem:$0x3FAD]  }
0x31: {  	[smem:$0x3FB6] =	sst s10  }
0x32: {  	s10 =	sld [smem:$0x3FB4];
	_ =	sdelay $0x3  }
0x33: {  	p0 =	seq.s32 s10, $0x1;
	s10 =	sld [smem:$0x3FB6];
	_ =	sdelay $0x3  }
0x34: {  	[smem:$0x3FB6] =	sst s10  }
0x35: {  	s10 =	sld [smem:$0x3FB5];
	_ =	sdelay $0x3  }
0x36: {  	p1 =	seq.s32 s10, $0x1;
	s10 =	sld [smem:$0x3FB6];
	_ =	sdelay $0x3  }
0x37: {  	[smem:$0x3FB6] =	sst s10  }
0x38: {  	s10 =	sld [smem:$0x3FB7]  }
0x39: {  	_ = 	snop;
	(pc) =	sbr.ind lr, $3  }
0x3a: {  	_ = 	snop  }
0x3b: {  	_ = 	snop  }
0x3c: {  	p2 =	seq.s32 s10, $0x1;
	s10 =	sld [smem:$0x3FB6]  }
0x3d: {  	_ =	shalt  }
0x3e: {  	_ =	shalt  }
0x3f: {  	_ =	shalt  }
0x40: {  	_ =	shalt  }
0x41: {  	_ =	shalt  }
0x42: {  	_ =	shalt  }
0x43: {  	_ =	shalt  }
0x44: {  	_ =	shalt  }
0x45: {  	_ =	shalt  }
0x46: {  	_ =	shalt  }
0x47: {  	_ =	shalt  }
0x48: {  	_ =	shalt  }
0x49: {  	_ =	shalt  }
0x4a: {  	_ =	shalt  }
0x4b: {  	_ =	shalt  }
0x4c: {  	_ =	shalt  }
0x4d: {  	_ =	shalt  }
0x4e: {  	_ =	shalt  }
0x4f: {  	_ =	shalt  }
0x50: {  	_ =	shalt  }
0x51: {  	_ =	shalt  }
0x52: {  	_ =	shalt  }
0x53: {  	_ =	shalt  }
0x54: {  	_ =	shalt  }
0x55: {  	_ =	shalt  }
0x56: {  	_ =	shalt  }
0x57: {  	_ =	shalt  }
0x58: {  	_ =	shalt  }
0x59: {  	_ =	shalt  }
0x5a: {  	_ =	shalt  }
0x5b: {  	_ =	shalt  }
0x5c: {  	_ =	shalt  }
0x5d: {  	_ =	shalt  }
0x5e: {  	_ =	shalt  }
0x5f: {  	_ =	shalt  }
0x60: {  	_ =	shalt  }
0x61: {  	_ =	shalt  }
0x62: {  	_ =	shalt  }
0x63: {  	_ =	shalt  }
0x64: {  	_ =	shalt  }
0x65: {  	_ =	shalt  }
0x66: {  	_ =	shalt  }
0x67: {  	_ =	shalt  }
0x68: {  	_ =	shalt  }
0x69: {  	_ =	shalt  }
0x6a: {  	_ =	shalt  }
0x6b: {  	_ =	shalt  }
0x6c: {  	_ =	shalt  }
0x6d: {  	_ =	shalt  }
0x6e: {  	_ =	shalt  }
0x6f: {  	_ =	shalt  }
0x70: {  	_ =	shalt  }
0x71: {  	_ =	shalt  }
0x72: {  	_ =	shalt  }
0x73: {  	_ =	shalt  }
0x74: {  	_ =	shalt  }
0x75: {  	_ =	shalt  }
0x76: {  	_ =	shalt  }
0x77: {  	_ =	shalt  }
0x78: {  	_ =	shalt  }
0x79: {  	_ =	shalt  }
0x7a: {  	_ =	shalt  }
0x7b: {  	_ =	shalt  }
0x7c: {  	_ =	shalt  }
0x7d: {  	_ =	shalt  }
0x7e: {  	_ =	shalt  }
0x7f: {  	_ =	shalt  }
0x80: {  	_ =	shalt  }
0x81: {  	_ =	shalt  }
0x82: {  	_ =	shalt  }
0x83: {  	_ =	shalt  }
0x84: {  	_ =	shalt  }
0x85: {  	_ =	shalt  }
0x86: {  	_ =	shalt  }
0x87: {  	_ =	shalt  }
.Lfunc_end0:
.L_simem_size_0:
called_computation.1_lowered:
.L_overlay_start_0:
0x88: {  	s2 =	sld [smem:$0x3FD9]  }
0x89: {  	s3 =	sld [smem:$0x3FFE];
	_ =	sdelay $0x1  }
0x8a: {  	s1 =	srdreg.scid  }
0x8b: {  	s0 =	sand.u32 $0x1, s1  }
0x8c: {  	s16 =	sshll.u32 s0, $0xA;
	s2 =	sadd.s32 s3, s2  }
0x8d: {  	s2 =	sadd.s32 s2, s16  }
0x8e: {  	[smem:$0x3FC2] =	sst s2  }
0x8f: {  	_ = 	snop  }
0x90: {  	(tm) =	ssettm $0x1  }
0x91: {  	s17 =	sld [smem:$0x3FFB];
	_ =	sdelay $0x3  }
0x92: {  	_ =	strace s17  }
0x93: {  	s2 =	sld [smem:$0x3FFC];
	_ =	sdelay $0x3  }
0x94: {  	_ =	strace s2  }
0x95: {  	s2 =	sld [smem:$0x3FFD];
	_ =	sdelay $0x3  }
0x96: {  	_ =	strace s2  }
0x97: {  	_ =	strace $0x8FFFFFFF  }
0x98: {  	s18 =	sld [smem:$0x3FDB];
	_ =	sdelay $0x1  }
0x99: {  	s19 =	simm.s32 $_scs_section_size  }
0x9a: {  	s4 =	simm.s32 $_size__tile_overlayer_lowered;
	s5 =	simm.s32 $_tile_overlayer_lowered  }
0x9b: {  	s22 =	simm.s32 $0x1BFF;
	s21 =	sshll.u32 s5, $0x1;
	s2 =	sadd.s32 s19, s18  }
0x9c: {  	s6 =	simm.s32 $0x0;
	s20 =	sshll.u32 s4, $0x1;
	s4 =	sadd.s32 s21, s2  }
0x9d: {  	[timem:s6], [sflag:s22] =	dma.local [hbm:s4], s20  }
0x9e: {  	_ =	swait.ge [sflag:s22], s20  }
0x9f: {  	s3 =	ssub.s32 $0x0, s20;
	[sflag:s22] =	ssyncset.done $0x0  }
0xa0: {  	[sflag:s22] =	ssyncadd.s32 s3;
	_ =	sdelay $0x1  }
0xa1: {  	s23 =	simm.s32 $0x1B8B  }
0xa2: {  	_ =	swait.ge [sflag:s23], $0x1  }
0xa3: {  	[sflag:s23] =	ssyncset.done $0x0  }
0xa4: {  	s25 =	simm.s32 $0x1B8E;
	s24 =	sld [smem:$0x3FFE];
	[sflag:s23] =	ssyncadd.s32 $0xFFFFFFFF  }
0xa5: {  	s26 =	simm.s32 $execute0_lowered;
	[smem:$0x3FD2] =	sst s25  }
0xa6: {  	s4 =	sshll.u32 s26, $0x1;
	_ =	strace $0x80000049;
	[dreg:$0x1] =	wrdreg $0xFFFFFFFF  }
0xa7: {  	s28 =	simm.s32 $_size_execute0_lowered;
	s2 =	sadd.s32 s2, s4;
	[dreg:$0x0] =	wrdreg $0x0  }
0xa8: {  	s4 =	sshll.u32 s28, $0x1;
	[dreg:$0x2] =	wrdreg s2  }
0xa9: {  	[dreg:$0x3] =	wrdreg s4  }
0xaa: {  	[dreg:$0x4] =	wrdreg $0xC0  }
0xab: {  	_ =	task [dreg:s6], $0x5FFFF  }
0xac: {  	[dreg:$0x1] =	wrdreg $0xFFFFFFFF  }
0xad: {  	[dreg:$0x0] =	wrdreg $0x60  }
0xae: {  	[dreg:$0x2] =	wrdreg s24  }
0xaf: {  	[dreg:$0x3] =	wrdreg $0x0  }
0xb0: {  	[dreg:$0x4] =	wrdreg $0x9  }
0xb1: {  	_ =	task.clear_ibuf [dreg:s6], $0x5FFFF;
	_ =	strace $0x90000049  }
0xb2: {  	s29 =	simm.s32 $0x9;
	_ =	strace $0x8000004B  }
0xb3: {  	_ =	swait.ge [sflag:s29], $0x1  }
0xb4: {  	[sflag:s29] =	ssyncadd.s32 $0xFFFFFFFF  }
0xb5: {  	_ =	strace $0x9000004B  }
0xb6: {  	_ =	sfence  }
0xb7: {  	s30 =	sld [smem:$0x0];
	_ =	sdelay $0x2  }
0xb8: {  	s31 =	sshll.u32 s1, $0xD;
	s1 =	sshrl.u32 s1, $0x2  }
0xb9: {  	s3 =	sand.u32 $0x4000, s31;
	s1 =	sadd.s32 s1, s30  }
0xba: {  	s0 =	sor.u32 s3, s0;
	s1 =	sshll.u32 s1, $0x11  }
0xbb: {  	s0 =	sor.u32 s1, s0  }
0xbc: {  	s0 =	sadd.s32 $0x8F2B, s0  }
0xbd: {  	[sflag:s0] =	ssyncadd.remote.s32 $0x1  }
0xbe: {  	_ =	sfence.sel $0xFFFF  }
0xbf: {  	[dreg:$0x0] =	wrdreg $0xFFFFFFFF;
	(pc) =	sbr.abs _section_cstart, $3  }
0xc0: {  	[dreg:$0x1] =	wrdreg $0xFFFFFFFF  }
0xc1: {  	_ =	task.clear_ibuf [dreg:s6], $0x2FFFF;
	_ =	strace $0x9FFFFFFF  }
0xc2: {  	(tm) =	ssettm $0x7FFFFFFF  }
0xc3: {  	_ =	shalt  }
tec
execute0_lowered:
.L_overlay_start_1:
0x0: {  	(tag) =	ssettag $0x1  }
0x1: {  	s5 =	rddreg [dreg:$0x0]  }
0x2: {  	s0 =	stileid.u32;
	s1 =	srdreg.scid  }
0x3: {  	s2 =	rddreg [dreg:$0x1];
	s3 =	simm.s32 $0x0;
	s16 =	simm.s32 $0x15400  }
0x4: {  	s17 =	simm.s32 $0x80;
	s18 =	simm.s32 $0x16800;
	s19 =	simm.s32 $0x1  }
0x5: {  	s20 =	simm.s32 $0x14080;
	s21 =	simm.s32 $0x1A800;
	s22 =	simm.s32 $0x2  }
0x6: {  	s23 =	simm.s32 $0x3;
	s24 =	simm.s32 $0x14100;
	s28 =	simm.s32 $0x0  }
0x7: {  	s6 =	smul.u32 $0x2800, s0;
	s7 =	sand.u32 $0x1, s1;
	s1 =	rddreg [dreg:$0x2]  }
0x8: {  	[smem:$0x7FF] =	sst s3;
	s9 =	smul.u32 $0x14000, s0;
	s4 =	sadd.s32 $0x66C00, s5  }
0x9: {  	s11 =	sadd.s32 $0x1C00, s5;
	s12 =	sadd.s32 $0xBC00, s5;
	s10 =	smul.u32 $0x50000, s0  }
0xa: {  	s13 =	sshll.u32 s0, $0x1;
	s31 =	sshll.u32 s0, $0x6;
	s8 =	smul.u32 $0x140000, s7  }
0xb: {  	_ =	strace $0x8000004A;
	s25 =	ssub.s32 $0x2, s7;
	s7 =	sor.u32 s7, s13  }
0xc: {  	s6 =	sadd.s32 s6, s5;
	s26 =	sshrl.u32 s25, $0x1;
	s29 =	sshrl.u32 s10, $0x2  }
0xd: {  	s14 =	smul.u32 $0x500, s7;
	s8 =	sadd.s32 s9, s8;
	s9 =	ssub.s32 s25, s26  }
0xe: {  	s30 =	sadd.s32 s29, s2;
	s25 =	simm.s32 $0x15480;
	s26 =	simm.s32 $0x4  }
.Ltmp0:
0xf: {  	s8 =	sshrl.u32 s8, $0x3;
	s15 =	sadd.s32 $0x280, s14;
	(pc) =	sbr.rel .LBB2_1-.Ltmp0, $4  }
0x10: {  	s10 =	sadd.s32 s12, s14;
	s13 =	sshrl.u32 s30, $0x3;
	s8 =	sadd.s32 s8, s5  }
0x11: {  	s5 =	sadd.s32 $0x8EC00, s6;
	s6 =	sor.u32 $0x1C05, s31;
	s12 =	sadd.s32 s12, s15  }
0x12: {  	s7 =	sadd.s32 $0xB6C00, s8;
	s8 =	smax.u32 s9, $0x1;
	s9 =	sadd.s32 s11, s14  }
0x13: {  	s11 =	sadd.s32 s11, s15;
	s14 =	simm.s32 $0x5;
	s15 =	simm.s32 $0x14000  }
.LBB2_7:
0x14: {  	[spmem:s2] =	stream.indirect.scatter.add.f32 [tilespmem:s21], [sflag:$0x4], $0x80, s31, s17, $0xb8;
	[tilespmem:$0x1E800] =	vst v63  }
0x15: {  	_ =	swait.ge [sflag:s26], $0x4000  }
0x16: {  	s28 =	sadd.s32 $0x1, s28;
	[sflag:s26] =	ssyncset.done $0x0  }
0x17: {  	p0 =	sne.s32 s28, s8;
	[sflag:s26] =	ssyncadd.s32 $0xFFFFC000  }
.Ltmp1:
0x18: {  	[bflag:$0x0] =	sbarrier.arrive $0xFFFF;
	(pc) =	sbr.rel @!p0 .LBB2_8-.Ltmp1, $4  }
0x19: {  	[hbm:s7], [sflag:s6] =	dma.local [spmem:s13], $0x2800  }
0x1a: {  	_ =	swait.ge [sflag:s14], $0x2800  }
0x1b: {  	[sflag:s14] =	ssyncset.done $0x0  }
0x1c: {  	[sflag:s14] =	ssyncadd.s32 $0xFFFFD800  }
.LBB2_1:
0x1d: {  	[spmem:s13], [sflag:s6] =	dma.local [hbm:s5], $0x2800  }
0x1e: {  	_ =	swait.ge [sflag:s14], $0x2800  }
0x1f: {  	[sflag:s14] =	ssyncset.done $0x0  }
0x20: {  	[sflag:s14] =	ssyncadd.s32 $0xFFFFD800  }
0x21: {  	[bflag:$0x0] =	sbarrier.arrive $0xFFFF  }
0x22: {  	[tilespmem:s15], [sflag:$0x5] =	stream.linear.gather [hbm4b:s9+s3], $0x1400, $0x38;
	[tilespmem:$0x1E800] =	vst v63  }
0x23: {  	_ =	swait.ge [sflag:s14], $0x1400  }
0x24: {  	[sflag:s14] =	ssyncset.done $0x0  }
0x25: {  	[sflag:s14] =	ssyncadd.s32 $0xFFFFEC00  }
0x26: {  	[tilespmem:s16], [sflag:$0x5] =	stream.linear.gather [hbm4b:s10+s3], $0x1400, $0x38;
	[tilespmem:$0x1E800] =	vst v63  }
0x27: {  	_ =	swait.ge [sflag:s14], $0x1400  }
0x28: {  	[sflag:s14] =	ssyncset.done $0x0  }
0x29: {  	[sflag:s14] =	ssyncadd.s32 $0xFFFFEC00  }
0x2a: {  	[tilespmem:s18], [sflag:$0x1] =	stream.indirect.gather [hbm4b:s4+s17], $0x80, s15, s17, $0xb8;
	[tilespmem:$0x1E800] =	vst v63  }
0x2b: {  	_ =	swait.ge [sflag:s19], $0x4000  }
0x2c: {  	[sflag:s19] =	ssyncset.done $0x0  }
0x2d: {  	[sflag:s19] =	ssyncadd.s32 $0xFFFFC000  }
0x2e: {  	[tilespmem:s21], [sflag:$0x2] =	stream.indirect.gather [hbm4b:s4+s17], $0x80, s20, s17, $0xb8;
	[tilespmem:$0x1E800] =	vst v63  }
0x2f: {  	_ = 	snop  }
0x30: {  	[spmem:s2] =	stream.indirect.scatter.add.f32 [tilespmem:s18], [sflag:$0x3], $0x80, s16, s17, $0xb8;
	[tilespmem:$0x1E800] =	vst v63  }
0x31: {  	_ =	swait.ge [sflag:s22], $0x4000  }
0x32: {  	[sflag:s22] =	ssyncset.done $0x0  }
0x33: {  	[sflag:s22] =	ssyncadd.s32 $0xFFFFC000  }
0x34: {  	_ =	swait.ge [sflag:s23], $0x4000  }
0x35: {  	[sflag:s23] =	ssyncset.done $0x0  }
0x36: {  	[sflag:s23] =	ssyncadd.s32 $0xFFFFC000  }
0x37: {  	[tilespmem:s18], [sflag:$0x1] =	stream.indirect.gather [hbm4b:s4+s17], $0x80, s24, s17, $0xb8;
	[tilespmem:$0x1E800] =	vst v63  }
0x38: {  	s29 =	simm.s32 $0xFFFFB800  }
0x39: {  	[spmem:s2] =	stream.indirect.scatter.add.f32 [tilespmem:s21], [sflag:$0x4], $0x80, s25, s17, $0xb8;
	[tilespmem:$0x1E800] =	vst v63  }
.LBB2_2:
0x3a: {  	_ =	swait.ge [sflag:s19], $0x4000  }
0x3b: {  	[sflag:s19] =	ssyncset.done $0x0  }
0x3c: {  	[sflag:s19] =	ssyncadd.s32 $0xFFFFC000  }
0x3d: {  	_ =	swait.ge [sflag:s26], $0x4000  }
0x3e: {  	s30 =	sshra.s32 s29, $0x2;
	[sflag:s26] =	ssyncset.done $0x0  }
0x3f: {  	s31 =	sadd.s32 $0x15380, s30;
	[sflag:s26] =	ssyncadd.s32 $0xFFFFC000  }
0x40: {  	[tilespmem:s21], [sflag:$0x2] =	stream.indirect.gather [hbm4b:s4+s17], $0x80, s31, s17, $0xb8;
	[tilespmem:$0x1E800] =	vst v63  }
0x41: {  	s31 =	sadd.s32 $0x16700, s30  }
0x42: {  	[spmem:s2] =	stream.indirect.scatter.add.f32 [tilespmem:s18], [sflag:$0x3], $0x80, s31, s17, $0xb8;
	[tilespmem:$0x1E800] =	vst v63  }
0x43: {  	p0 =	seq.s32 s29, $0x0;
	_ =	swait.ge [sflag:s22], $0x4000  }
.Ltmp2:
0x44: {  	[sflag:s22] =	ssyncset.done $0x0;
	(pc) =	sbr.rel @p0 .LBB2_4-.Ltmp2, $4  }
0x45: {  	[sflag:s22] =	ssyncadd.s32 $0xFFFFC000  }
0x46: {  	_ =	swait.ge [sflag:s23], $0x4000  }
0x47: {  	[sflag:s23] =	ssyncset.done $0x0  }
0x48: {  	s31 =	sadd.s32 $0x16780, s30;
	[sflag:s23] =	ssyncadd.s32 $0xFFFFC000  }
.Ltmp3:
0x49: {  	(pc) =	sbr.rel .LBB2_2-.Ltmp3, $4  }
0x4a: {  	s30 =	sadd.s32 $0x15400, s30  }
0x4b: {  	[tilespmem:s18], [sflag:$0x1] =	stream.indirect.gather [hbm4b:s4+s17], $0x80, s30, s17, $0xb8;
	[tilespmem:$0x1E800] =	vst v63  }
0x4c: {  	s29 =	sadd.s32 $0x400, s29  }
0x4d: {  	[spmem:s2] =	stream.indirect.scatter.add.f32 [tilespmem:s21], [sflag:$0x4], $0x80, s31, s17, $0xb8;
	[tilespmem:$0x1E800] =	vst v63  }
.LBB2_4:
0x4e: {  	[spmem:s2] =	stream.indirect.scatter.add.f32 [tilespmem:s21], [sflag:$0x4], $0x80, s31, s17, $0xb8;
	[tilespmem:$0x1E800] =	vst v63  }
0x4f: {  	_ =	swait.ge [sflag:s26], $0x4000  }
0x50: {  	[sflag:s26] =	ssyncset.done $0x0  }
0x51: {  	[sflag:s26] =	ssyncadd.s32 $0xFFFFC000  }
0x52: {  	[tilespmem:s15], [sflag:$0x5] =	stream.linear.gather [hbm4b:s11+s3], $0x1400, $0x38;
	[tilespmem:$0x1E800] =	vst v63  }
0x53: {  	_ =	swait.ge [sflag:s14], $0x1400  }
0x54: {  	[sflag:s14] =	ssyncset.done $0x0  }
0x55: {  	[sflag:s14] =	ssyncadd.s32 $0xFFFFEC00  }
0x56: {  	[tilespmem:s16], [sflag:$0x5] =	stream.linear.gather [hbm4b:s12+s3], $0x1400, $0x38;
	[tilespmem:$0x1E800] =	vst v63  }
0x57: {  	_ =	swait.ge [sflag:s14], $0x1400  }
0x58: {  	[sflag:s14] =	ssyncset.done $0x0  }
0x59: {  	[sflag:s14] =	ssyncadd.s32 $0xFFFFEC00  }
0x5a: {  	[tilespmem:s18], [sflag:$0x1] =	stream.indirect.gather [hbm4b:s4+s17], $0x80, s15, s17, $0xb8;
	[tilespmem:$0x1E800] =	vst v63  }
0x5b: {  	_ =	swait.ge [sflag:s19], $0x4000  }
0x5c: {  	[sflag:s19] =	ssyncset.done $0x0  }
0x5d: {  	[sflag:s19] =	ssyncadd.s32 $0xFFFFC000  }
0x5e: {  	[tilespmem:s21], [sflag:$0x2] =	stream.indirect.gather [hbm4b:s4+s17], $0x80, s20, s17, $0xb8;
	[tilespmem:$0x1E800] =	vst v63  }
0x5f: {  	_ = 	snop  }
0x60: {  	[spmem:s2] =	stream.indirect.scatter.add.f32 [tilespmem:s18], [sflag:$0x3], $0x80, s16, s17, $0xb8;
	[tilespmem:$0x1E800] =	vst v63  }
0x61: {  	_ =	swait.ge [sflag:s22], $0x4000  }
0x62: {  	[sflag:s22] =	ssyncset.done $0x0  }
0x63: {  	[sflag:s22] =	ssyncadd.s32 $0xFFFFC000  }
0x64: {  	_ =	swait.ge [sflag:s23], $0x4000  }
0x65: {  	[sflag:s23] =	ssyncset.done $0x0  }
0x66: {  	[sflag:s23] =	ssyncadd.s32 $0xFFFFC000  }
0x67: {  	[tilespmem:s18], [sflag:$0x1] =	stream.indirect.gather [hbm4b:s4+s17], $0x80, s24, s17, $0xb8;
	[tilespmem:$0x1E800] =	vst v63  }
0x68: {  	s29 =	simm.s32 $0xFFFFB800  }
0x69: {  	[spmem:s2] =	stream.indirect.scatter.add.f32 [tilespmem:s21], [sflag:$0x4], $0x80, s25, s17, $0xb8;
	[tilespmem:$0x1E800] =	vst v63  }
.LBB2_5:
0x6a: {  	_ =	swait.ge [sflag:s19], $0x4000  }
0x6b: {  	[sflag:s19] =	ssyncset.done $0x0  }
0x6c: {  	[sflag:s19] =	ssyncadd.s32 $0xFFFFC000  }
0x6d: {  	_ =	swait.ge [sflag:s26], $0x4000  }
0x6e: {  	s30 =	sshra.s32 s29, $0x2;
	[sflag:s26] =	ssyncset.done $0x0  }
0x6f: {  	s31 =	sadd.s32 $0x15380, s30;
	[sflag:s26] =	ssyncadd.s32 $0xFFFFC000  }
0x70: {  	[tilespmem:s21], [sflag:$0x2] =	stream.indirect.gather [hbm4b:s4+s17], $0x80, s31, s17, $0xb8;
	[tilespmem:$0x1E800] =	vst v63  }
0x71: {  	s31 =	sadd.s32 $0x16700, s30  }
0x72: {  	[spmem:s2] =	stream.indirect.scatter.add.f32 [tilespmem:s18], [sflag:$0x3], $0x80, s31, s17, $0xb8;
	[tilespmem:$0x1E800] =	vst v63  }
0x73: {  	p0 =	seq.s32 s29, $0x0;
	_ =	swait.ge [sflag:s22], $0x4000  }
.Ltmp4:
0x74: {  	[sflag:s22] =	ssyncset.done $0x0;
	(pc) =	sbr.rel @p0 .LBB2_7-.Ltmp4, $4  }
0x75: {  	[sflag:s22] =	ssyncadd.s32 $0xFFFFC000  }
0x76: {  	_ =	swait.ge [sflag:s23], $0x4000  }
0x77: {  	[sflag:s23] =	ssyncset.done $0x0  }
0x78: {  	s31 =	sadd.s32 $0x16780, s30;
	[sflag:s23] =	ssyncadd.s32 $0xFFFFC000  }
.Ltmp5:
0x79: {  	(pc) =	sbr.rel .LBB2_5-.Ltmp5, $4  }
0x7a: {  	s30 =	sadd.s32 $0x15400, s30  }
0x7b: {  	[tilespmem:s18], [sflag:$0x1] =	stream.indirect.gather [hbm4b:s4+s17], $0x80, s30, s17, $0xb8;
	[tilespmem:$0x1E800] =	vst v63  }
0x7c: {  	s29 =	sadd.s32 $0x400, s29  }
0x7d: {  	[spmem:s2] =	stream.indirect.scatter.add.f32 [tilespmem:s21], [sflag:$0x4], $0x80, s31, s17, $0xb8;
	[tilespmem:$0x1E800] =	vst v63  }
.LBB2_8:
0x7e: {  	_ =	sfence.sel $0x180000  }
0x7f: {  	[bflag:$0x0] =	sbarrier.arrive $0xFFFF  }
0x80: {  	p0 =	sne.s32 s0, $0x0;
	_ =	strace $0x9000004A  }
0x81: {  	s0 =	sadd.s32 @!p0 $0x100000, s1;
	[bflag:$0x2] =	sbarrier.arrive $0xFFFF  }
0x82: {  	[sflag:s0] =	ssyncadd.tile.s32 @!p0 $0x1;
	_ =	shalt  }
.Lfunc_end2:
_tile_overlayer_lowered:
.L_overlay_start_2:
0x83: {  	(tag) =	ssettag $0x2  }
0x84: {  	s0 =	rddreg [dreg:$0x0];
	s2 =	stileid.u32  }
0x85: {  	s1 =	rddreg [dreg:$0x1];
	p0 =	sne.s32 s2, $0x0  }
0x86: {  	s3 =	rddreg [dreg:$0x2];
	[bflag:$0x3] =	sbarrier.arrive $0xFFFF;
	s2 =	simm.s32 @!p0 $0x1C05  }
0x87: {  	[timem:s3], [sflag:s2] =	dma.local @!p0 [hbm:s0], s1  }
0x88: {  	s0 =	simm.s32 @!p0 $0x5  }
0x89: {  	_ =	swait.ge @!p0 [sflag:s0], s1  }
0x8a: {  	s1 =	ssub.s32 @!p0 $0x0, s1;
	[sflag:s0] =	ssyncset.done @!p0 $0x0  }
0x8b: {  	[sflag:s0] =	ssyncadd.s32 @!p0 s1  }
0x8c: {  	[bflag:$0x3] =	sbarrier.arrive $0xFFFF  }
0x8d: {  	_ =	shalt  }

// kernel: kernel.14.cloned.1.call-start
scs
__scs_entry_jumppad:
0x0: {  	(pc) =	sbr.rel $0x88, $3  }
0x1: {  	(tag) =	ssettag $0x0;
	lr =	simm.s32 $0x1  }
0x2: {  	[smem:$0x3F9B] =	sst lr;
	_ =	strace $0xD0000000  }
0x3: {  	_ = 	snop  }
0x4: {  	_ = 	snop  }
0x5: {  	_ = 	snop  }
0x6: {  	_ = 	snop  }
0x7: {  	_ = 	snop  }
__scs_overlays_trampoline_lowered:
0x8: {  	[smem:$0x3FAA] =	sst s0  }
0x9: {  	[smem:$0x3FAB] =	sst s1  }
0xa: {  	[smem:$0x3FAC] =	sst s2  }
0xb: {  	[smem:$0x3FAD] =	sst s3  }
0xc: {  	[smem:$0x3FAE] =	sst s4  }
0xd: {  	[smem:$0x3FAF] =	sst s5  }
0xe: {  	[smem:$0x3FB0] =	sst s6  }
0xf: {  	[smem:$0x3FB1] =	sst s7  }
0x10: {  	[smem:$0x3FB2] =	sst s8  }
0x11: {  	[smem:$0x3FB3] =	sst s9;
	s0 =	simm.s32 @!p0 $0x0  }
0x12: {  	s1 =	sld [smem:$0x3F99];
	s0 =	simm.s32 @p0 $0x1  }
0x13: {  	[smem:$0x3FB4] =	sst s0;
	s0 =	simm.s32 @!p1 $0x0  }
0x14: {  	s2 =	sld [smem:$0x3F98];
	s0 =	simm.s32 @p1 $0x1  }
0x15: {  	[smem:$0x3FB5] =	sst s0;
	s0 =	simm.s32 @!p2 $0x0  }
0x16: {  	s3 =	sld [smem:$0x3FDB];
	s0 =	simm.s32 @p2 $0x1  }
0x17: {  	s4 =	simm.s32 $0x1BF5;
	[smem:$0x3FB7] =	sst s0  }
0x18: {  	s0 =	sld [smem:$0x3F9A];
	_ =	swait.ge [sflag:s4], $0x0  }
0x19: {  	s7 =	sld [smem:$0x3F9B]  }
0x1a: {  	s8 =	sadd.s32 $0xFFFFE003, lr  }
0x1b: {  	s9 =	sadd.s32 $0xFFFFFEF7, lr;
	s5 =	simm.s32 $0xFFFFFFFF;
	p2 =	slt.u32 s8, $0xFFFFF086  }
0x1c: {  	p1 =	slt.u32 s9, $0xF7A;
	s5 =	simm.s32 @!p2 $0x0  }
0x1d: {  	s5 =	simm.s32 @p1 $0x1;
	p0 =	seq.s32 s7, s2  }
0x1e: {  	s7 =	smul.u32 @!p0 $0xF7A, s2;
	p2 =	seq.s32 @!p0 s5, $0x0  }
0x1f: {  	s9 =	smul.u32 $0xF7A, s1;
	s8 =	simm.s32 @!p0 $0x1BF5;
	p2 =	por !p2, p0  }
0x20: {  	[sflag:s8] =	ssyncset.s32 @!p0 $0xFFFFF086;
	s6 =	sadd.s32 @!p0 s3, s7;
	s7 =	simm.s32 @!p0 $0x108  }
0x21: {  	s3 =	sadd.s32 s3, s9;
	s6 =	sadd.s32 @!p0 $0x88, s6;
	s7 =	simm.s32 @p2 $0x1082  }
0x22: {  	[simem:s7], [sflag:s8] =	dma.local @!p0 [hbm:s6], $0xF7A  }
0x23: {  	s9 =	sor.u32 $0xD0000000, s2;
	s6 =	simm.s32 $0x108;
	_ =	swait.ge @!p0 [sflag:s8], $0x0  }
0x24: {  	s3 =	sadd.s32 $0x88, s3;
	s6 =	simm.s32 @!p1 $0x1082;
	[sflag:s4] =	ssyncset.s32 $0xFFFFF086  }
0x25: {  	[simem:s6], [sflag:s4] =	dma.local [hbm:s3], $0xF7A  }
0x26: {  	[smem:$0x3F9B] =	sst s1;
	(tag) =	ssettag s2;
	_ =	strace s9  }
0x27: {  	s1 =	sld [smem:$0x3FAB]  }
0x28: {  	s2 =	sld [smem:$0x3FAC]  }
0x29: {  	s4 =	sld [smem:$0x3FAE]  }
0x2a: {  	p0 =	seq.s32 s5, $0x0;
	s5 =	sld [smem:$0x3FAF]  }
0x2b: {  	s6 =	sld [smem:$0x3FB0]  }
0x2c: {  	s7 =	sld [smem:$0x3FB1]  }
0x2d: {  	s3 =	simm.s32 $0x108;
	s8 =	sld [smem:$0x3FB2]  }
0x2e: {  	s3 =	simm.s32 @!p0 $0x1082;
	s9 =	sld [smem:$0x3FB3]  }
0x2f: {  	lr =	sadd.s32 s0, s3;
	s0 =	sld [smem:$0x3FAA]  }
0x30: {  	s3 =	sld [smem:$0x3FAD]  }
0x31: {  	[smem:$0x3FB6] =	sst s10  }
0x32: {  	s10 =	sld [smem:$0x3FB4];
	_ =	sdelay $0x3  }
0x33: {  	p0 =	seq.s32 s10, $0x1;
	s10 =	sld [smem:$0x3FB6];
	_ =	sdelay $0x3  }
0x34: {  	[smem:$0x3FB6] =	sst s10  }
0x35: {  	s10 =	sld [smem:$0x3FB5];
	_ =	sdelay $0x3  }
0x36: {  	p1 =	seq.s32 s10, $0x1;
	s10 =	sld [smem:$0x3FB6];
	_ =	sdelay $0x3  }
0x37: {  	[smem:$0x3FB6] =	sst s10  }
0x38: {  	s10 =	sld [smem:$0x3FB7]  }
0x39: {  	_ = 	snop;
	(pc) =	sbr.ind lr, $3  }
0x3a: {  	_ = 	snop  }
0x3b: {  	_ = 	snop  }
0x3c: {  	p2 =	seq.s32 s10, $0x1;
	s10 =	sld [smem:$0x3FB6]  }
0x3d: {  	_ =	shalt  }
0x3e: {  	_ =	shalt  }
0x3f: {  	_ =	shalt  }
0x40: {  	_ =	shalt  }
0x41: {  	_ =	shalt  }
0x42: {  	_ =	shalt  }
0x43: {  	_ =	shalt  }
0x44: {  	_ =	shalt  }
0x45: {  	_ =	shalt  }
0x46: {  	_ =	shalt  }
0x47: {  	_ =	shalt  }
0x48: {  	_ =	shalt  }
0x49: {  	_ =	shalt  }
0x4a: {  	_ =	shalt  }
0x4b: {  	_ =	shalt  }
0x4c: {  	_ =	shalt  }
0x4d: {  	_ =	shalt  }
0x4e: {  	_ =	shalt  }
0x4f: {  	_ =	shalt  }
0x50: {  	_ =	shalt  }
0x51: {  	_ =	shalt  }
0x52: {  	_ =	shalt  }
0x53: {  	_ =	shalt  }
0x54: {  	_ =	shalt  }
0x55: {  	_ =	shalt  }
0x56: {  	_ =	shalt  }
0x57: {  	_ =	shalt  }
0x58: {  	_ =	shalt  }
0x59: {  	_ =	shalt  }
0x5a: {  	_ =	shalt  }
0x5b: {  	_ =	shalt  }
0x5c: {  	_ =	shalt  }
0x5d: {  	_ =	shalt  }
0x5e: {  	_ =	shalt  }
0x5f: {  	_ =	shalt  }
0x60: {  	_ =	shalt  }
0x61: {  	_ =	shalt  }
0x62: {  	_ =	shalt  }
0x63: {  	_ =	shalt  }
0x64: {  	_ =	shalt  }
0x65: {  	_ =	shalt  }
0x66: {  	_ =	shalt  }
0x67: {  	_ =	shalt  }
0x68: {  	_ =	shalt  }
0x69: {  	_ =	shalt  }
0x6a: {  	_ =	shalt  }
0x6b: {  	_ =	shalt  }
0x6c: {  	_ =	shalt  }
0x6d: {  	_ =	shalt  }
0x6e: {  	_ =	shalt  }
0x6f: {  	_ =	shalt  }
0x70: {  	_ =	shalt  }
0x71: {  	_ =	shalt  }
0x72: {  	_ =	shalt  }
0x73: {  	_ =	shalt  }
0x74: {  	_ =	shalt  }
0x75: {  	_ =	shalt  }
0x76: {  	_ =	shalt  }
0x77: {  	_ =	shalt  }
0x78: {  	_ =	shalt  }
0x79: {  	_ =	shalt  }
0x7a: {  	_ =	shalt  }
0x7b: {  	_ =	shalt  }
0x7c: {  	_ =	shalt  }
0x7d: {  	_ =	shalt  }
0x7e: {  	_ =	shalt  }
0x7f: {  	_ =	shalt  }
0x80: {  	_ =	shalt  }
0x81: {  	_ =	shalt  }
0x82: {  	_ =	shalt  }
0x83: {  	_ =	shalt  }
0x84: {  	_ =	shalt  }
0x85: {  	_ =	shalt  }
0x86: {  	_ =	shalt  }
0x87: {  	_ =	shalt  }
.Lfunc_end0:
.L_simem_size_0:
called_computation.2_lowered:
.L_overlay_start_0:
0x88: {  	s2 =	sld [smem:$0x3FD9]  }
0x89: {  	s3 =	sld [smem:$0x3FFE];
	_ =	sdelay $0x1  }
0x8a: {  	s1 =	srdreg.scid  }
0x8b: {  	s0 =	sand.u32 $0x1, s1  }
0x8c: {  	s16 =	sshll.u32 s0, $0xA;
	s2 =	sadd.s32 s3, s2  }
0x8d: {  	s2 =	sadd.s32 s2, s16  }
0x8e: {  	[smem:$0x3FC2] =	sst s2  }
0x8f: {  	_ = 	snop  }
0x90: {  	(tm) =	ssettm $0x1  }
0x91: {  	s17 =	sld [smem:$0x3FFB];
	_ =	sdelay $0x3  }
0x92: {  	_ =	strace s17  }
0x93: {  	s2 =	sld [smem:$0x3FFC];
	_ =	sdelay $0x3  }
0x94: {  	_ =	strace s2  }
0x95: {  	s2 =	sld [smem:$0x3FFD];
	_ =	sdelay $0x3  }
0x96: {  	_ =	strace s2  }
0x97: {  	_ =	strace $0x8FFFFFFF  }
0x98: {  	s18 =	sld [smem:$0x3FDB];
	_ =	sdelay $0x1  }
0x99: {  	s19 =	simm.s32 $_scs_section_size  }
0x9a: {  	s4 =	simm.s32 $_size__tile_overlayer_lowered;
	s5 =	simm.s32 $_tile_overlayer_lowered  }
0x9b: {  	s22 =	simm.s32 $0x1BFF;
	s21 =	sshll.u32 s5, $0x1;
	s2 =	sadd.s32 s19, s18  }
0x9c: {  	s6 =	simm.s32 $0x0;
	s20 =	sshll.u32 s4, $0x1;
	s4 =	sadd.s32 s21, s2  }
0x9d: {  	[timem:s6], [sflag:s22] =	dma.local [hbm:s4], s20  }
0x9e: {  	_ =	swait.ge [sflag:s22], s20  }
0x9f: {  	s3 =	ssub.s32 $0x0, s20;
	[sflag:s22] =	ssyncset.done $0x0  }
0xa0: {  	[sflag:s22] =	ssyncadd.s32 s3;
	_ =	sdelay $0x1  }
0xa1: {  	s23 =	simm.s32 $0x1B8B  }
0xa2: {  	_ =	swait.ge [sflag:s23], $0x1  }
0xa3: {  	[sflag:s23] =	ssyncset.done $0x0  }
0xa4: {  	s25 =	simm.s32 $0x1B8E;
	s24 =	sld [smem:$0x3FFE];
	[sflag:s23] =	ssyncadd.s32 $0xFFFFFFFF  }
0xa5: {  	s26 =	simm.s32 $execute0_lowered;
	[smem:$0x3FD2] =	sst s25  }
0xa6: {  	s4 =	sshll.u32 s26, $0x1;
	_ =	strace $0x8000004C;
	[dreg:$0x1] =	wrdreg $0xFFFFFFFF  }
0xa7: {  	s28 =	simm.s32 $_size_execute0_lowered;
	s2 =	sadd.s32 s2, s4;
	[dreg:$0x0] =	wrdreg $0x0  }
0xa8: {  	s4 =	sshll.u32 s28, $0x1;
	[dreg:$0x2] =	wrdreg s2  }
0xa9: {  	[dreg:$0x3] =	wrdreg s4  }
0xaa: {  	[dreg:$0x4] =	wrdreg $0xC0  }
0xab: {  	_ =	task [dreg:s6], $0x5FFFF  }
0xac: {  	[dreg:$0x1] =	wrdreg $0xFFFFFFFF  }
0xad: {  	[dreg:$0x0] =	wrdreg $0x60  }
0xae: {  	[dreg:$0x2] =	wrdreg s24  }
0xaf: {  	[dreg:$0x3] =	wrdreg $0x0  }
0xb0: {  	[dreg:$0x4] =	wrdreg $0x9  }
0xb1: {  	_ =	task.clear_ibuf [dreg:s6], $0x5FFFF;
	_ =	strace $0x9000004C  }
0xb2: {  	s29 =	simm.s32 $0x9;
	_ =	strace $0x8000004E  }
0xb3: {  	_ =	swait.ge [sflag:s29], $0x1  }
0xb4: {  	[sflag:s29] =	ssyncadd.s32 $0xFFFFFFFF  }
0xb5: {  	_ =	strace $0x9000004E  }
0xb6: {  	_ =	sfence  }
0xb7: {  	s30 =	sld [smem:$0x0];
	_ =	sdelay $0x2  }
0xb8: {  	s31 =	sshll.u32 s1, $0xD;
	s1 =	sshrl.u32 s1, $0x2  }
0xb9: {  	s3 =	sand.u32 $0x4000, s31;
	s1 =	sadd.s32 s1, s30  }
0xba: {  	s0 =	sor.u32 s3, s0;
	s1 =	sshll.u32 s1, $0x11  }
0xbb: {  	s0 =	sor.u32 s1, s0  }
0xbc: {  	s0 =	sadd.s32 $0x8F2B, s0  }
0xbd: {  	[sflag:s0] =	ssyncadd.remote.s32 $0x1  }
0xbe: {  	_ =	sfence.sel $0xFFFF  }
0xbf: {  	[dreg:$0x0] =	wrdreg $0xFFFFFFFF;
	(pc) =	sbr.abs _section_cstart, $3  }
0xc0: {  	[dreg:$0x1] =	wrdreg $0xFFFFFFFF  }
0xc1: {  	_ =	task.clear_ibuf [dreg:s6], $0x2FFFF;
	_ =	strace $0x9FFFFFFF  }
0xc2: {  	(tm) =	ssettm $0x7FFFFFFF  }
0xc3: {  	_ =	shalt  }
tec
execute0_lowered:
.L_overlay_start_1:
0x0: {  	(tag) =	ssettag $0x1  }
0x1: {  	s5 =	rddreg [dreg:$0x0];
	s1 =	srdreg.scid  }
0x2: {  	s0 =	stileid.u32;
	s2 =	rddreg [dreg:$0x1]  }
0x3: {  	s3 =	simm.s32 $0x0;
	s12 =	simm.s32 $0x2A80;
	s15 =	simm.s32 $0x80  }
0x4: {  	s16 =	simm.s32 $0x1;
	s17 =	simm.s32 $0x2;
	s18 =	simm.s32 $0x20  }
0x5: {  	s19 =	simm.s32 $0x10;
	s20 =	simm.s32 $0x0;
	s6 =	sand.u32 $0x1, s1  }
0x6: {  	s4 =	sshll.u32 s0, $0x1;
	s1 =	rddreg [dreg:$0x2];
	s8 =	smul.u32 $0x500, s0  }
0x7: {  	[smem:$0x7FF] =	sst s3;
	s9 =	smul.u32 $0x280, s0;
	s13 =	sshll.u32 s0, $0x6  }
0x8: {  	s4 =	sor.u32 s6, s4;
	_ =	strace $0x8000004D;
	s10 =	sshll.u32 s6, $0x7  }
0x9: {  	s6 =	ssub.s32 $0x2, s6;
	s13 =	sor.u32 $0x1C03, s13;
	s7 =	smul.u32 $0x500, s4  }
0xa: {  	s4 =	sadd.s32 $0x16C00, s5;
	s8 =	sor.u32 s10, s8;
	s31 =	sshrl.u32 s9, $0x3  }
0xb: {  	s11 =	sshrl.u32 s6, $0x1;
	s14 =	sadd.s32 s9, s2;
	s8 =	sshrl.u32 s8, $0x3  }
0xc: {  	s10 =	sadd.s32 s31, s5;
	s11 =	ssub.s32 s6, s11;
	s14 =	sshrl.u32 s14, $0x3  }
0xd: {  	s7 =	sadd.s32 s7, s5;
	s8 =	sadd.s32 s8, s5;
	s9 =	smax.u32 s11, $0x1  }
0xe: {  	s11 =	simm.s32 $0x3;
	s5 =	sadd.s32 $0x1C00, s7;
	s6 =	sadd.s32 $0xBC00, s7  }
0xf: {  	s7 =	sadd.s32 $0x15C00, s10;
	s8 =	sadd.s32 $0x17200, s8;
	s10 =	simm.s32 $0x280  }
.LBB2_1:
0x10: {  	[tilespmem:s10], [sflag:$0x3] =	stream.linear.gather [hbm4b:s5+s3], $0x2800, $0x38;
	[tilespmem:$0x7A80] =	vst v63  }
0x11: {  	_ =	swait.ge [sflag:s11], $0x2800  }
0x12: {  	[sflag:s11] =	ssyncset.done $0x0  }
0x13: {  	[sflag:s11] =	ssyncadd.s32 $0xFFFFD800  }
0x14: {  	[tilespmem:s12], [sflag:$0x3] =	stream.linear.gather [hbm4b:s6+s3], $0x2800, $0x38;
	[tilespmem:$0x7A80] =	vst v63  }
0x15: {  	_ =	swait.ge [sflag:s11], $0x2800  }
0x16: {  	[sflag:s11] =	ssyncset.done $0x0  }
0x17: {  	[sflag:s11] =	ssyncadd.s32 $0xFFFFD800  }
0x18: {  	[spmem:s14], [sflag:s13] =	dma.local [hbm:s7], $0x50  }
0x19: {  	_ =	swait.ge [sflag:s11], $0x50  }
0x1a: {  	[sflag:s11] =	ssyncset.done $0x0  }
0x1b: {  	[sflag:s11] =	ssyncadd.s32 $0xFFFFFFB0  }
0x1c: {  	s21 =	simm.s32 $0x0;
	[bflag:$0x0] =	sbarrier.arrive $0xFFFF  }
.LBB2_2:
0x1d: {  	p0 =	sne.s32 s21, $0x9E00  }
.Ltmp0:
0x1e: {  	_ = 	snop;
	(pc) =	sbr.rel @p0 .LBB2_2-.Ltmp0, $4  }
0x1f: {  	_ = 	snop  }
0x20: {  	s22 =	sshra.s32 s21, $0x2  }
0x21: {  	s21 =	sadd.s32 $0x200, s21;
	s23 =	sadd.s32 $0x5280, s22;
	s22 =	sadd.s32 $0x280, s22  }
0x22: {  	[tilespmem:s23], [sflag:$0x1] =	stream.indirect.gather [hbm4b:s4+s15], $0x1, s22, s15, $0xb8;
	[tilespmem:$0x7A80] =	vst v63  }
0x23: {  	_ =	swait.ge [sflag:s16], $0x80  }
0x24: {  	s21 =	simm.s32 $0x200;
	[sflag:s16] =	ssyncset.done $0x0  }
0x25: {  	s22 =	simm.s32 $0x5280;
	s23 =	simm.s32 $0x2A80;
	[sflag:s16] =	ssyncadd.s32 $0xFFFFFF80  }
.LBB2_4:
0x26: {  	[spmem:s2] =	stream.indirect.scatter.add.f32 [tilespmem:s22], [sflag:$0x2], $0x1, s23, s15, $0xb8;
	[tilespmem:$0x7A80] =	vst v63  }
0x27: {  	s22 =	smov.u32 s21;
	p0 =	sne.s32 s21, $0x9E00  }
.Ltmp1:
0x28: {  	s21 =	sadd.s32 $0x200, s21;
	(pc) =	sbr.rel @p0 .LBB2_4-.Ltmp1, $4  }
0x29: {  	_ = 	snop  }
0x2a: {  	_ =	swait.ge [sflag:s16], $0x80  }
0x2b: {  	s23 =	sshra.s32 s22, $0x2;
	[sflag:s16] =	ssyncset.done $0x0  }
0x2c: {  	s22 =	sadd.s32 $0x5280, s23;
	s23 =	sadd.s32 $0x2A80, s23;
	[sflag:s16] =	ssyncadd.s32 $0xFFFFFF80  }
0x2d: {  	[spmem:s2] =	stream.indirect.scatter.add.f32 [tilespmem:s22], [sflag:$0x2], $0x1, s23, s15, $0xb8;
	[tilespmem:$0x7A80] =	vst v63  }
0x2e: {  	_ =	swait.ge [sflag:s17], $0x80  }
0x2f: {  	s21 =	simm.s32 $0x4F;
	[sflag:s17] =	ssyncset.done $0x0  }
.LBB2_6:
0x30: {  	p0 =	sne.s32 s21, $0x1;
	s21 =	sadd.s32 $0xFFFFFFFF, s21;
	[sflag:s17] =	ssyncadd.s32 $0xFFFFFF80  }
.Ltmp2:
0x31: {  	(pc) =	sbr.rel @p0 .LBB2_6-.Ltmp2, $3  }
0x32: {  	_ =	sdelay $0x1  }
0x33: {  	_ =	swait.ge [sflag:s17], $0x80  }
0x34: {  	[sflag:s17] =	ssyncset.done $0x0  }
0x35: {  	s20 =	sadd.s32 $0x1, s20  }
0x36: {  	[sflag:s17] =	ssyncadd.s32 $0xFFFFFF80;
	p0 =	sne.s32 s20, s9  }
.Ltmp3:
0x37: {  	[bflag:$0x0] =	sbarrier.arrive $0xFFFF;
	(pc) =	sbr.rel @p0 .LBB2_1-.Ltmp3, $4  }
0x38: {  	[hbm:s8@s18], [sflag:s13] =	dma.strided [spmem:s14@s19], $0x50, s16, $0x10   }
0x39: {  	_ =	swait.ge [sflag:s11], $0x50  }
0x3a: {  	[sflag:s11] =	ssyncset.done $0x0  }
0x3b: {  	[sflag:s11] =	ssyncadd.s32 $0xFFFFFFB0  }
0x3c: {  	_ =	sfence.sel $0x180000  }
0x3d: {  	[bflag:$0x0] =	sbarrier.arrive $0xFFFF  }
0x3e: {  	p0 =	sne.s32 s0, $0x0;
	_ =	strace $0x9000004D  }
0x3f: {  	s0 =	sadd.s32 @!p0 $0x100000, s1;
	[bflag:$0x2] =	sbarrier.arrive $0xFFFF  }
0x40: {  	[sflag:s0] =	ssyncadd.tile.s32 @!p0 $0x1;
	_ =	shalt  }
.Lfunc_end2:
_tile_overlayer_lowered:
.L_overlay_start_2:
0x41: {  	(tag) =	ssettag $0x2  }
0x42: {  	s0 =	rddreg [dreg:$0x0];
	s2 =	stileid.u32  }
0x43: {  	s1 =	rddreg [dreg:$0x1];
	p0 =	sne.s32 s2, $0x0  }
0x44: {  	s3 =	rddreg [dreg:$0x2];
	[bflag:$0x3] =	sbarrier.arrive $0xFFFF;
	s2 =	simm.s32 @!p0 $0x1C03  }
0x45: {  	[timem:s3], [sflag:s2] =	dma.local @!p0 [hbm:s0], s1  }
0x46: {  	s0 =	simm.s32 @!p0 $0x3  }
0x47: {  	_ =	swait.ge @!p0 [sflag:s0], s1  }
0x48: {  	s1 =	ssub.s32 @!p0 $0x0, s1;
	[sflag:s0] =	ssyncset.done @!p0 $0x0  }
0x49: {  	[sflag:s0] =	ssyncadd.s32 @!p0 s1  }
0x4a: {  	[bflag:$0x3] =	sbarrier.arrive $0xFFFF  }
0x4b: {  	_ =	shalt  }

// kernel: kernel.8.cloned.1.call-start
scs
__scs_entry_jumppad:
0x0: {  	(pc) =	sbr.rel $0x88, $3  }
0x1: {  	(tag) =	ssettag $0x0;
	lr =	simm.s32 $0x1  }
0x2: {  	[smem:$0x3F9B] =	sst lr;
	_ =	strace $0xD0000000  }
0x3: {  	_ = 	snop  }
0x4: {  	_ = 	snop  }
0x5: {  	_ = 	snop  }
0x6: {  	_ = 	snop  }
0x7: {  	_ = 	snop  }
__scs_overlays_trampoline_lowered:
0x8: {  	[smem:$0x3FAA] =	sst s0  }
0x9: {  	[smem:$0x3FAB] =	sst s1  }
0xa: {  	[smem:$0x3FAC] =	sst s2  }
0xb: {  	[smem:$0x3FAD] =	sst s3  }
0xc: {  	[smem:$0x3FAE] =	sst s4  }
0xd: {  	[smem:$0x3FAF] =	sst s5  }
0xe: {  	[smem:$0x3FB0] =	sst s6  }
0xf: {  	[smem:$0x3FB1] =	sst s7  }
0x10: {  	[smem:$0x3FB2] =	sst s8  }
0x11: {  	[smem:$0x3FB3] =	sst s9;
	s0 =	simm.s32 @!p0 $0x0  }
0x12: {  	s1 =	sld [smem:$0x3F99];
	s0 =	simm.s32 @p0 $0x1  }
0x13: {  	[smem:$0x3FB4] =	sst s0;
	s0 =	simm.s32 @!p1 $0x0  }
0x14: {  	s2 =	sld [smem:$0x3F98];
	s0 =	simm.s32 @p1 $0x1  }
0x15: {  	[smem:$0x3FB5] =	sst s0;
	s0 =	simm.s32 @!p2 $0x0  }
0x16: {  	s3 =	sld [smem:$0x3FDB];
	s0 =	simm.s32 @p2 $0x1  }
0x17: {  	s4 =	simm.s32 $0x1BF5;
	[smem:$0x3FB7] =	sst s0  }
0x18: {  	s0 =	sld [smem:$0x3F9A];
	_ =	swait.ge [sflag:s4], $0x0  }
0x19: {  	s7 =	sld [smem:$0x3F9B]  }
0x1a: {  	s8 =	sadd.s32 $0xFFFFE003, lr  }
0x1b: {  	s9 =	sadd.s32 $0xFFFFFEF7, lr;
	s5 =	simm.s32 $0xFFFFFFFF;
	p2 =	slt.u32 s8, $0xFFFFF086  }
0x1c: {  	p1 =	slt.u32 s9, $0xF7A;
	s5 =	simm.s32 @!p2 $0x0  }
0x1d: {  	s5 =	simm.s32 @p1 $0x1;
	p0 =	seq.s32 s7, s2  }
0x1e: {  	s7 =	smul.u32 @!p0 $0xF7A, s2;
	p2 =	seq.s32 @!p0 s5, $0x0  }
0x1f: {  	s9 =	smul.u32 $0xF7A, s1;
	s8 =	simm.s32 @!p0 $0x1BF5;
	p2 =	por !p2, p0  }
0x20: {  	[sflag:s8] =	ssyncset.s32 @!p0 $0xFFFFF086;
	s6 =	sadd.s32 @!p0 s3, s7;
	s7 =	simm.s32 @!p0 $0x108  }
0x21: {  	s3 =	sadd.s32 s3, s9;
	s6 =	sadd.s32 @!p0 $0x88, s6;
	s7 =	simm.s32 @p2 $0x1082  }
0x22: {  	[simem:s7], [sflag:s8] =	dma.local @!p0 [hbm:s6], $0xF7A  }
0x23: {  	s9 =	sor.u32 $0xD0000000, s2;
	s6 =	simm.s32 $0x108;
	_ =	swait.ge @!p0 [sflag:s8], $0x0  }
0x24: {  	s3 =	sadd.s32 $0x88, s3;
	s6 =	simm.s32 @!p1 $0x1082;
	[sflag:s4] =	ssyncset.s32 $0xFFFFF086  }
0x25: {  	[simem:s6], [sflag:s4] =	dma.local [hbm:s3], $0xF7A  }
0x26: {  	[smem:$0x3F9B] =	sst s1;
	(tag) =	ssettag s2;
	_ =	strace s9  }
0x27: {  	s1 =	sld [smem:$0x3FAB]  }
0x28: {  	s2 =	sld [smem:$0x3FAC]  }
0x29: {  	s4 =	sld [smem:$0x3FAE]  }
0x2a: {  	p0 =	seq.s32 s5, $0x0;
	s5 =	sld [smem:$0x3FAF]  }
0x2b: {  	s6 =	sld [smem:$0x3FB0]  }
0x2c: {  	s7 =	sld [smem:$0x3FB1]  }
0x2d: {  	s3 =	simm.s32 $0x108;
	s8 =	sld [smem:$0x3FB2]  }
0x2e: {  	s3 =	simm.s32 @!p0 $0x1082;
	s9 =	sld [smem:$0x3FB3]  }
0x2f: {  	lr =	sadd.s32 s0, s3;
	s0 =	sld [smem:$0x3FAA]  }
0x30: {  	s3 =	sld [smem:$0x3FAD]  }
0x31: {  	[smem:$0x3FB6] =	sst s10  }
0x32: {  	s10 =	sld [smem:$0x3FB4];
	_ =	sdelay $0x3  }
0x33: {  	p0 =	seq.s32 s10, $0x1;
	s10 =	sld [smem:$0x3FB6];
	_ =	sdelay $0x3  }
0x34: {  	[smem:$0x3FB6] =	sst s10  }
0x35: {  	s10 =	sld [smem:$0x3FB5];
	_ =	sdelay $0x3  }
0x36: {  	p1 =	seq.s32 s10, $0x1;
	s10 =	sld [smem:$0x3FB6];
	_ =	sdelay $0x3  }
0x37: {  	[smem:$0x3FB6] =	sst s10  }
0x38: {  	s10 =	sld [smem:$0x3FB7]  }
0x39: {  	_ = 	snop;
	(pc) =	sbr.ind lr, $3  }
0x3a: {  	_ = 	snop  }
0x3b: {  	_ = 	snop  }
0x3c: {  	p2 =	seq.s32 s10, $0x1;
	s10 =	sld [smem:$0x3FB6]  }
0x3d: {  	_ =	shalt  }
0x3e: {  	_ =	shalt  }
0x3f: {  	_ =	shalt  }
0x40: {  	_ =	shalt  }
0x41: {  	_ =	shalt  }
0x42: {  	_ =	shalt  }
0x43: {  	_ =	shalt  }
0x44: {  	_ =	shalt  }
0x45: {  	_ =	shalt  }
0x46: {  	_ =	shalt  }
0x47: {  	_ =	shalt  }
0x48: {  	_ =	shalt  }
0x49: {  	_ =	shalt  }
0x4a: {  	_ =	shalt  }
0x4b: {  	_ =	shalt  }
0x4c: {  	_ =	shalt  }
0x4d: {  	_ =	shalt  }
0x4e: {  	_ =	shalt  }
0x4f: {  	_ =	shalt  }
0x50: {  	_ =	shalt  }
0x51: {  	_ =	shalt  }
0x52: {  	_ =	shalt  }
0x53: {  	_ =	shalt  }
0x54: {  	_ =	shalt  }
0x55: {  	_ =	shalt  }
0x56: {  	_ =	shalt  }
0x57: {  	_ =	shalt  }
0x58: {  	_ =	shalt  }
0x59: {  	_ =	shalt  }
0x5a: {  	_ =	shalt  }
0x5b: {  	_ =	shalt  }
0x5c: {  	_ =	shalt  }
0x5d: {  	_ =	shalt  }
0x5e: {  	_ =	shalt  }
0x5f: {  	_ =	shalt  }
0x60: {  	_ =	shalt  }
0x61: {  	_ =	shalt  }
0x62: {  	_ =	shalt  }
0x63: {  	_ =	shalt  }
0x64: {  	_ =	shalt  }
0x65: {  	_ =	shalt  }
0x66: {  	_ =	shalt  }
0x67: {  	_ =	shalt  }
0x68: {  	_ =	shalt  }
0x69: {  	_ =	shalt  }
0x6a: {  	_ =	shalt  }
0x6b: {  	_ =	shalt  }
0x6c: {  	_ =	shalt  }
0x6d: {  	_ =	shalt  }
0x6e: {  	_ =	shalt  }
0x6f: {  	_ =	shalt  }
0x70: {  	_ =	shalt  }
0x71: {  	_ =	shalt  }
0x72: {  	_ =	shalt  }
0x73: {  	_ =	shalt  }
0x74: {  	_ =	shalt  }
0x75: {  	_ =	shalt  }
0x76: {  	_ =	shalt  }
0x77: {  	_ =	shalt  }
0x78: {  	_ =	shalt  }
0x79: {  	_ =	shalt  }
0x7a: {  	_ =	shalt  }
0x7b: {  	_ =	shalt  }
0x7c: {  	_ =	shalt  }
0x7d: {  	_ =	shalt  }
0x7e: {  	_ =	shalt  }
0x7f: {  	_ =	shalt  }
0x80: {  	_ =	shalt  }
0x81: {  	_ =	shalt  }
0x82: {  	_ =	shalt  }
0x83: {  	_ =	shalt  }
0x84: {  	_ =	shalt  }
0x85: {  	_ =	shalt  }
0x86: {  	_ =	shalt  }
0x87: {  	_ =	shalt  }
.Lfunc_end0:
.L_simem_size_0:
called_computation_lowered:
.L_overlay_start_0:
0x88: {  	s2 =	sld [smem:$0x3FD9]  }
0x89: {  	s3 =	sld [smem:$0x3FFE];
	_ =	sdelay $0x1  }
0x8a: {  	s1 =	srdreg.scid  }
0x8b: {  	s0 =	sand.u32 $0x1, s1  }
0x8c: {  	s17 =	sshll.u32 s0, $0xA;
	s2 =	sadd.s32 s3, s2  }
0x8d: {  	s2 =	sadd.s32 s2, s17  }
0x8e: {  	[smem:$0x3FC2] =	sst s2  }
0x8f: {  	_ = 	snop  }
0x90: {  	s2 =	sld [smem:$0x3FD0];
	(tm) =	ssettm $0x1  }
0x91: {  	s18 =	sld [smem:$0x3FFB];
	_ =	sdelay $0x3  }
0x92: {  	_ =	strace s18  }
0x93: {  	s3 =	sld [smem:$0x3FFC];
	_ =	sdelay $0x3  }
0x94: {  	_ =	strace s3  }
0x95: {  	s3 =	sld [smem:$0x3FFD];
	_ =	sdelay $0x3  }
0x96: {  	_ =	strace s3  }
0x97: {  	_ =	strace $0x8FFFFFFF  }
0x98: {  	s19 =	sld [smem:$0x3FDB];
	_ =	sdelay $0x1  }
0x99: {  	s4 =	simm.s32 $_scs_section_size  }
0x9a: {  	s5 =	simm.s32 $_size__tile_overlayer_lowered;
	s6 =	simm.s32 $_tile_overlayer_lowered  }
0x9b: {  	s22 =	simm.s32 $0x1BFF;
	s21 =	sshll.u32 s6, $0x1;
	s3 =	sadd.s32 s4, s19  }
0x9c: {  	s7 =	simm.s32 $0x0;
	s20 =	sshll.u32 s5, $0x1;
	s5 =	sadd.s32 s21, s3  }
0x9d: {  	[timem:s7], [sflag:s22] =	dma.local [hbm:s5], s20  }
0x9e: {  	_ =	swait.ge [sflag:s22], s20  }
0x9f: {  	s4 =	ssub.s32 $0x0, s20;
	[sflag:s22] =	ssyncset.done $0x0  }
0xa0: {  	[sflag:s22] =	ssyncadd.s32 s4;
	_ =	sdelay $0x1  }
0xa1: {  	s23 =	simm.s32 $0x1B8B  }
0xa2: {  	_ =	swait.ge [sflag:s23], $0x1  }
0xa3: {  	[sflag:s23] =	ssyncset.done $0x0  }
0xa4: {  	s25 =	simm.s32 $0x1B8E;
	s24 =	sld [smem:$0x3FFE];
	[sflag:s23] =	ssyncadd.s32 $0xFFFFFFFF  }
0xa5: {  	s26 =	simm.s32 $execute0_lowered;
	[smem:$0x3FD2] =	sst s25  }
0xa6: {  	s5 =	sshll.u32 s26, $0x1;
	_ =	strace $0x80000046;
	[dreg:$0x1] =	wrdreg $0xFFFFFFFF  }
0xa7: {  	s28 =	simm.s32 $_size_execute0_lowered;
	s3 =	sadd.s32 s3, s5;
	[dreg:$0x0] =	wrdreg $0x0  }
0xa8: {  	s5 =	sshll.u32 s28, $0x1;
	[dreg:$0x2] =	wrdreg s3  }
0xa9: {  	[dreg:$0x3] =	wrdreg s5  }
0xaa: {  	[dreg:$0x4] =	wrdreg $0xC0  }
0xab: {  	_ =	task [dreg:s7], $0x5FFFF  }
0xac: {  	[dreg:$0x1] =	wrdreg $0xFFFFFFFF  }
0xad: {  	[dreg:$0x0] =	wrdreg $0x60  }
0xae: {  	[dreg:$0x2] =	wrdreg s24  }
0xaf: {  	[dreg:$0x3] =	wrdreg s2  }
0xb0: {  	[dreg:$0x4] =	wrdreg $0x0  }
0xb1: {  	[dreg:$0x5] =	wrdreg $0x9  }
0xb2: {  	_ =	task.clear_ibuf [dreg:s7], $0x6FFFF;
	_ =	strace $0x90000046  }
0xb3: {  	s29 =	simm.s32 $0x9;
	_ =	strace $0x80000048  }
0xb4: {  	_ =	swait.ge [sflag:s29], $0x1  }
0xb5: {  	[sflag:s29] =	ssyncadd.s32 $0xFFFFFFFF  }
0xb6: {  	_ =	strace $0x90000048  }
0xb7: {  	_ =	sfence  }
0xb8: {  	s30 =	sld [smem:$0x0];
	_ =	sdelay $0x2  }
0xb9: {  	s31 =	sshll.u32 s1, $0xD;
	s1 =	sshrl.u32 s1, $0x2  }
0xba: {  	s3 =	sand.u32 $0x4000, s31;
	s1 =	sadd.s32 s1, s30  }
0xbb: {  	s0 =	sor.u32 s3, s0;
	s1 =	sshll.u32 s1, $0x11  }
0xbc: {  	s0 =	sor.u32 s1, s0  }
0xbd: {  	s0 =	sadd.s32 $0x8F2B, s0  }
0xbe: {  	[sflag:s0] =	ssyncadd.remote.s32 $0x1  }
0xbf: {  	_ =	sfence.sel $0xFFFF  }
0xc0: {  	[dreg:$0x0] =	wrdreg $0xFFFFFFFF;
	(pc) =	sbr.abs _section_cstart, $3  }
0xc1: {  	[dreg:$0x1] =	wrdreg $0xFFFFFFFF  }
0xc2: {  	_ =	task.clear_ibuf [dreg:s7], $0x2FFFF;
	_ =	strace $0x9FFFFFFF  }
0xc3: {  	(tm) =	ssettm $0x7FFFFFFF  }
tec
execute0_lowered:
.L_overlay_start_1:
0x0: {  	(tag) =	ssettag $0x1  }
0x1: {  	s5 =	rddreg [dreg:$0x0]  }
0x2: {  	s1 =	srdreg.scid;
	s2 =	rddreg [dreg:$0x1]  }
0x3: {  	s0 =	stileid.u32;
	s3 =	rddreg [dreg:$0x2]  }
0x4: {  	s4 =	simm.s32 $0x0;
	s14 =	simm.s32 $0x80;
	s15 =	simm.s32 $0x1  }
0x5: {  	s16 =	simm.s32 $0x20;
	s17 =	simm.s32 $0x10;
	s18 =	simm.s32 $0x0  }
0x6: {  	s6 =	sand.u32 $0x1, s1;
	s29 =	sshll.u32 s0, $0x1;
	s8 =	smul.u32 $0x280, s0  }
0x7: {  	[smem:$0x7FF] =	sst s4;
	s9 =	smul.u32 $0x500, s0;
	s12 =	sshll.u32 s0, $0x6  }
0x8: {  	s1 =	sor.u32 s6, s29;
	s10 =	sshll.u32 s6, $0x7;
	s6 =	ssub.s32 $0x2, s6  }
0x9: {  	s12 =	sor.u32 $0x1C02, s12;
	s7 =	smul.u32 $0x500, s1;
	s1 =	rddreg [dreg:$0x3]  }
0xa: {  	_ =	strace $0x80000047;
	s11 =	sshrl.u32 s8, $0x3;
	s9 =	sor.u32 s10, s9  }
0xb: {  	s31 =	sshrl.u32 s6, $0x1;
	s13 =	sadd.s32 s8, s3;
	s10 =	simm.s32 $0x2  }
0xc: {  	s30 =	sadd.s32 s11, s5;
	s9 =	sshrl.u32 s9, $0x3;
	s11 =	ssub.s32 s6, s31  }
0xd: {  	s13 =	sshrl.u32 s13, $0x3;
	s7 =	sadd.s32 s7, s5;
	s9 =	sadd.s32 s9, s5  }
0xe: {  	s6 =	sadd.s32 $0x15C00, s30;
	s8 =	smax.u32 s11, $0x1;
	s11 =	simm.s32 $0x280  }
0xf: {  	s5 =	sadd.s32 $0xBC00, s7;
	s7 =	sadd.s32 $0x16200, s9;
	s9 =	simm.s32 $0x2A80  }
.LBB2_1:
0x10: {  	[tilespmem:s9], [sflag:$0x2] =	stream.linear.gather [hbm4b:s2+s4], $0x80, $0x38;
	[tilespmem:$0x2B00] =	vst v63  }
0x11: {  	_ =	swait.ge [sflag:s10], $0x80  }
0x12: {  	[sflag:s10] =	ssyncset.done $0x0  }
0x13: {  	[sflag:s10] =	ssyncadd.s32 $0xFFFFFF80  }
0x14: {  	[tilespmem:s11], [sflag:$0x2] =	stream.linear.gather [hbm4b:s5+s4], $0x2800, $0x38;
	[tilespmem:$0x2B00] =	vst v63  }
0x15: {  	_ =	swait.ge [sflag:s10], $0x2800  }
0x16: {  	[sflag:s10] =	ssyncset.done $0x0  }
0x17: {  	[sflag:s10] =	ssyncadd.s32 $0xFFFFD800  }
0x18: {  	[spmem:s13], [sflag:s12] =	dma.local [hbm:s6], $0x50  }
0x19: {  	_ =	swait.ge [sflag:s10], $0x50  }
0x1a: {  	[sflag:s10] =	ssyncset.done $0x0  }
0x1b: {  	[sflag:s10] =	ssyncadd.s32 $0xFFFFFFB0  }
0x1c: {  	s19 =	simm.s32 $0x0;
	[bflag:$0x0] =	sbarrier.arrive $0xFFFF  }
.LBB2_2:
0x1d: {  	p0 =	sne.s32 s19, $0x9E00  }
.Ltmp0:
0x1e: {  	_ = 	snop;
	(pc) =	sbr.rel @p0 .LBB2_2-.Ltmp0, $4  }
0x1f: {  	_ = 	snop  }
0x20: {  	s20 =	sshra.s32 s19, $0x2  }
0x21: {  	s19 =	sadd.s32 $0x200, s19;
	s20 =	sadd.s32 $0x280, s20  }
0x22: {  	[spmem:s3] =	stream.indirect.scatter.add.f32 [tilespmem:s9], [sflag:$0x1], $0x1, s20, s14, $0xb8;
	[tilespmem:$0x2B00] =	vst v63  }
0x23: {  	_ =	swait.ge [sflag:s15], $0x80  }
0x24: {  	s19 =	simm.s32 $0x4F;
	[sflag:s15] =	ssyncset.done $0x0  }
.LBB2_4:
0x25: {  	p0 =	sne.s32 s19, $0x1;
	s19 =	sadd.s32 $0xFFFFFFFF, s19;
	[sflag:s15] =	ssyncadd.s32 $0xFFFFFF80  }
.Ltmp1:
0x26: {  	(pc) =	sbr.rel @p0 .LBB2_4-.Ltmp1, $3  }
0x27: {  	_ =	sdelay $0x1  }
0x28: {  	_ =	swait.ge [sflag:s15], $0x80  }
0x29: {  	[sflag:s15] =	ssyncset.done $0x0  }
0x2a: {  	s18 =	sadd.s32 $0x1, s18  }
0x2b: {  	[sflag:s15] =	ssyncadd.s32 $0xFFFFFF80;
	p0 =	sne.s32 s18, s8  }
.Ltmp2:
0x2c: {  	[bflag:$0x0] =	sbarrier.arrive $0xFFFF;
	(pc) =	sbr.rel @p0 .LBB2_1-.Ltmp2, $4  }
0x2d: {  	[hbm:s7@s16], [sflag:s12] =	dma.strided [spmem:s13@s17], $0x50, s15, $0x10   }
0x2e: {  	_ =	swait.ge [sflag:s10], $0x50  }
0x2f: {  	[sflag:s10] =	ssyncset.done $0x0  }
0x30: {  	[sflag:s10] =	ssyncadd.s32 $0xFFFFFFB0  }
0x31: {  	_ =	sfence.sel $0x180000  }
0x32: {  	[bflag:$0x0] =	sbarrier.arrive $0xFFFF  }
0x33: {  	p0 =	sne.s32 s0, $0x0;
	_ =	strace $0x90000047  }
0x34: {  	s0 =	sadd.s32 @!p0 $0x100000, s1;
	[bflag:$0x2] =	sbarrier.arrive $0xFFFF  }
0x35: {  	[sflag:s0] =	ssyncadd.tile.s32 @!p0 $0x1;
	_ =	shalt  }
.Lfunc_end2:
_tile_overlayer_lowered:
.L_overlay_start_2:
0x36: {  	(tag) =	ssettag $0x2  }
0x37: {  	s0 =	rddreg [dreg:$0x0];
	s2 =	stileid.u32  }
0x38: {  	s1 =	rddreg [dreg:$0x1];
	p0 =	sne.s32 s2, $0x0  }
0x39: {  	s3 =	rddreg [dreg:$0x2];
	[bflag:$0x3] =	sbarrier.arrive $0xFFFF;
	s2 =	simm.s32 @!p0 $0x1C02  }
0x3a: {  	[timem:s3], [sflag:s2] =	dma.local @!p0 [hbm:s0], s1  }
0x3b: {  	s0 =	simm.s32 @!p0 $0x2  }
0x3c: {  	_ =	swait.ge @!p0 [sflag:s0], s1  }
0x3d: {  	s1 =	ssub.s32 @!p0 $0x0, s1;
	[sflag:s0] =	ssyncset.done @!p0 $0x0  }
0x3e: {  	[sflag:s0] =	ssyncadd.s32 @!p0 s1  }
0x3f: {  	[bflag:$0x3] =	sbarrier.arrive $0xFFFF  }
0x40: {  	_ =	shalt  }

</sc_bundles>
